<compile_context>
chip_gen: v7x
topology: tpu7x:2x2x1
jax: 0.10.2.dev20260603
libtpu: 0.0.44.dev20260713+nightly
codegen_flags: <defaults>
</compile_context>

<pallas_src>
import functools

import jax
import jax.numpy as jnp
from jax import lax
from jax.experimental import pallas as pl
from jax.experimental.pallas import tpu as pltpu
from jax.experimental.pallas import tpu_sc as plsc

_E = 8
_TM = 512
_LOSS_SCALE = 3e-06
_PHI = lax.Precision.HIGHEST



def _router_body(lg_ref, p_ref, mp_ref, be_ref, nblk_ref, loss_ref):
    T = lg_ref.shape[1]
    lg = lg_ref[...]
    erow = lax.broadcasted_iota(jnp.int32, (_E, T), 0)
    m = jnp.max(lg, axis=0, keepdims=True)
    ex = jnp.exp(lg - m)
    ssum = jnp.sum(ex, axis=0, keepdims=True)
    pr = ex / ssum
    mpc = jnp.max(pr, axis=0, keepdims=True)
    idx = jnp.min(jnp.where(pr == mpc, erow, jnp.int32(999)),
                  axis=0, keepdims=True)
    oh = (erow == idx).astype(jnp.float32)
    mp = mpc

    C = 128
    G = T // C
    iu = lax.broadcasted_iota(jnp.int32, (C, C), 0)
    ju = lax.broadcasted_iota(jnp.int32, (C, C), 1)
    U = (iu <= ju).astype(jnp.float32)
    chunks = [
        lax.dot_general(oh[:, g * C:(g + 1) * C], U, (((1,), (0,)), ((), ())),
                        preferred_element_type=jnp.float32, precision=_PHI)
        for g in range(G)
    ]
    intra = jnp.concatenate(chunks, axis=1)
    tg = lax.broadcasted_iota(jnp.int32, (T, G), 0) // C
    gg = lax.broadcasted_iota(jnp.int32, (T, G), 1)
    S = (tg == gg).astype(jnp.float32)
    totals = lax.dot_general(oh, S, (((1,), (0,)), ((), ())),
                             preferred_element_type=jnp.float32, precision=_PHI)
    ig = lax.broadcasted_iota(jnp.int32, (G, G), 0)
    jg = lax.broadcasted_iota(jnp.int32, (G, G), 1)
    UgS = (ig < jg).astype(jnp.float32)
    offs = lax.dot_general(totals, UgS, (((1,), (0,)), ((), ())),
                           preferred_element_type=jnp.float32, precision=_PHI)
    St_g = lax.broadcasted_iota(jnp.int32, (G, T), 0)
    St_t = lax.broadcasted_iota(jnp.int32, (G, T), 1) // C
    St = (St_g == St_t).astype(jnp.float32)
    offs_full = lax.dot_general(offs, St, (((1,), (0,)), ((), ())),
                                preferred_element_type=jnp.float32, precision=_PHI)
    cum = intra + offs_full

    rank_incl = jnp.sum(cum * oh, axis=0, keepdims=True)
    counts = cum[:, T - 1:T]
    nb = jnp.floor((counts + (_TM - 1)) / _TM)
    il = lax.broadcasted_iota(jnp.int32, (_E, _E), 0)
    jl = lax.broadcasted_iota(jnp.int32, (_E, _E), 1)
    L8s = (jl < il).astype(jnp.float32)
    po = lax.dot_general(L8s, nb, (((1,), (0,)), ((), ())),
                         preferred_element_type=jnp.float32, precision=_PHI) * _TM
    psel = jnp.sum(po * oh, axis=0, keepdims=True)
    p = psel + rank_incl - 1.0
    p_ref[...] = p.astype(jnp.int32)
    mp_ref[...] = jnp.broadcast_to(lax.transpose(mp, (1, 0)),
                                   (T, mp_ref.shape[1]))

    maxb = be_ref.shape[1]
    nbi = po / _TM + nb
    jbf = lax.broadcasted_iota(jnp.int32, (_E, maxb), 1).astype(jnp.float32)
    becnt = jnp.sum((nbi <= jbf).astype(jnp.float32), axis=0, keepdims=True)
    be_ref[...] = jnp.minimum(becnt, float(_E - 1)).astype(jnp.int32)
    nblk_ref[...] = jnp.full((1, 1), 1.0, jnp.float32).astype(jnp.int32) * \
        jnp.sum(nb).astype(jnp.int32)

    pe = lax.dot_general(oh, mp, (((1,), (1,)), ((), ())),
                         preferred_element_type=jnp.float32, precision=_PHI)
    loss = jnp.sum(counts * pe) * (_LOSS_SCALE * _E / (T * float(T) * T))
    loss_ref[...] = jnp.full((1, 1), 1.0, jnp.float32) * loss


def _router_call(lgp, maxb):
    T = lgp.shape[1]
    return pl.pallas_call(
        _router_body,
        out_shape=(
            jax.ShapeDtypeStruct((1, T), jnp.int32),
            jax.ShapeDtypeStruct((T, 128), jnp.float32),
            jax.ShapeDtypeStruct((1, maxb), jnp.int32),
            jax.ShapeDtypeStruct((1, 1), jnp.int32),
            jax.ShapeDtypeStruct((1, 1), jnp.float32),
        ),
    )(lgp)



def _sc_wid():
    return lax.axis_index("s") * 2 + lax.axis_index("c")


def _dispatch_call(xt, p, mpb, padT):
    T, D = xt.shape
    NW = 32
    rpw = T // NW
    mesh = plsc.VectorSubcoreMesh(core_axis_name="c", subcore_axis_name="s")

    CH = 32
    nch = rpw // CH

    @functools.partial(
        pl.kernel, mesh=mesh,
        out_type=[jax.ShapeDtypeStruct((padT, D), jnp.float32),
                  jax.ShapeDtypeStruct((padT, 128), jnp.float32)],
        scratch_types=[pltpu.VMEM((rpw,), jnp.int32),
                       pltpu.VMEM((CH, D), jnp.float32),
                       pltpu.VMEM((CH, D), jnp.float32),
                       pltpu.VMEM((CH, 128), jnp.float32),
                       pltpu.VMEM((CH, 128), jnp.float32),
                       pltpu.SemaphoreType.DMA,
                       pltpu.SemaphoreType.DMA,
                       pltpu.SemaphoreType.DMA,
                       pltpu.SemaphoreType.DMA,
                       pltpu.SemaphoreType.DMA,
                       pltpu.SemaphoreType.DMA,
                       pltpu.SemaphoreType.DMA,
                       pltpu.SemaphoreType.DMA,
                       pltpu.SemaphoreType.DMA],
    )
    def k(x_hbm, p_hbm, mp_hbm, xs_hbm, mps_hbm, idx_v, rows0, rows1,
          mp0, mp1, li, lr0, lr1, lm0, lm1, sx0, sx1, sm0, sm1):
        b = _sc_wid() * rpw
        pltpu.async_copy(p_hbm.at[pl.ds(b, rpw)], idx_v, li).wait()
        rows = (rows0, rows1)
        mpv = (mp0, mp1)
        lrs = (lr0, lr1)
        lms = (lm0, lm1)
        sxs = (sx0, sx1)
        sms = (sm0, sm1)

        def loads(c):
            sl = c % 2
            return (
                pltpu.async_copy(x_hbm.at[pl.ds(b + c * CH, CH)],
                                 rows[sl], lrs[sl]),
                pltpu.async_copy(mp_hbm.at[pl.ds(b + c * CH, CH)],
                                 mpv[sl], lms[sl]))

        ld = [None] * nch
        sc = [None] * nch
        ld[0] = loads(0)
        ld[1] = loads(1)
        for c in range(nch):
            sl = c % 2
            ld[c][0].wait()
            ld[c][1].wait()
            isl = idx_v.at[pl.ds(c * CH, CH)]
            sc[c] = (pltpu.async_copy(rows[sl], xs_hbm.at[isl], sxs[sl]),
                     pltpu.async_copy(mpv[sl], mps_hbm.at[isl], sms[sl]))
            if c + 2 < nch:
                sc[c][0].wait()
                sc[c][1].wait()
                ld[c + 2] = loads(c + 2)
        for c in range(max(0, nch - 2), nch):
            sc[c][0].wait()
            sc[c][1].wait()

    return k(xt, p, mpb)



def _gmm_body(be_ref, nb_ref, xs_ref, w_ref, b_ref, mps_ref, ys_ref):
    @pl.when(pl.program_id(0) < nb_ref[0, 0])
    def _():
        acc = lax.dot_general(xs_ref[...], w_ref[0], (((1,), (1,)), ((), ())),
                              preferred_element_type=jnp.float32)
        ys_ref[...] = (acc + b_ref[0]) * mps_ref[:, :1]


def _gmm_call(be, nblk, xs, expert_W, expert_b, mps, maxb):
    padT, Dh = xs.shape
    D = expert_W.shape[1]
    grid_spec = pltpu.PrefetchScalarGridSpec(
        num_scalar_prefetch=2,
        grid=(maxb,),
        in_specs=[
            pl.BlockSpec((_TM, Dh),
                         lambda j, be, nb: (jnp.minimum(j, nb[0, 0] - 1), 0)),
            pl.BlockSpec((1, D, D), lambda j, be, nb: (be[0, j], 0, 0)),
            pl.BlockSpec((1, 1, D), lambda j, be, nb: (be[0, j], 0, 0)),
            pl.BlockSpec((_TM, 128),
                         lambda j, be, nb: (jnp.minimum(j, nb[0, 0] - 1), 0)),
        ],
        out_specs=pl.BlockSpec(
            (_TM, D), lambda j, be, nb: (jnp.minimum(j, nb[0, 0] - 1), 0)),
    )
    return pl.pallas_call(
        _gmm_body,
        grid_spec=grid_spec,
        out_shape=jax.ShapeDtypeStruct((padT, D), jnp.float32),
    )(be, nblk, xs, expert_W, expert_b, mps)



def _combine_call(ys, p):
    padT, D = ys.shape
    T = p.shape[0]
    NW = 32
    rpw = T // NW
    CH = 32
    mesh = plsc.VectorSubcoreMesh(core_axis_name="c", subcore_axis_name="s")

    @functools.partial(
        pl.kernel, mesh=mesh,
        out_type=jax.ShapeDtypeStruct((T, D), jnp.float32),
        scratch_types=[pltpu.VMEM((rpw,), jnp.int32),
                       pltpu.VMEM((CH, D), jnp.float32),
                       pltpu.VMEM((CH, D), jnp.float32),
                       pltpu.SemaphoreType.DMA,
                       pltpu.SemaphoreType.DMA,
                       pltpu.SemaphoreType.DMA,
                       pltpu.SemaphoreType.DMA,
                       pltpu.SemaphoreType.DMA],
    )
    def k(ys_hbm, p_hbm, out_hbm, idx_v, rows0, rows1, li, g0, g1, st0, st1):
        b = _sc_wid() * rpw
        pltpu.async_copy(p_hbm.at[pl.ds(b, rpw)], idx_v, li).wait()
        rows = (rows0, rows1)
        gsem = (g0, g1)
        ssem = (st0, st1)
        nch = rpw // CH
        gh = [None] * nch
        sh = [None] * nch
        gh[0] = pltpu.async_copy(ys_hbm.at[idx_v.at[pl.ds(0, CH)]], rows0, g0)
        for c in range(nch):
            sl = c % 2
            if c >= 1:
                sh[c - 1].wait()
            if c + 1 < nch:
                sl1 = (c + 1) % 2
                gh[c + 1] = pltpu.async_copy(
                    ys_hbm.at[idx_v.at[pl.ds((c + 1) * CH, CH)]],
                    rows[sl1], gsem[sl1])
            gh[c].wait()
            sh[c] = pltpu.async_copy(rows[sl], out_hbm.at[pl.ds(b + c * CH, CH)],
                                     ssem[sl])
        sh[nch - 1].wait()

    return k(ys, p)



def kernel(x, router_W, router_b, expert_W, expert_b):
    B, S, D = x.shape
    T = B * S
    maxb = T // _TM + _E - 1
    padT = maxb * _TM
    xt = x.reshape(T, D)
    logits = xt @ router_W.T + router_b

    p_row, mpb, be_row, nblk11, loss11 = _router_call(logits.T, maxb)
    p = p_row.reshape(T)

    xs, mps = _dispatch_call(xt, p, mpb, padT)
    ys = _gmm_call(be_row, nblk11, xs, expert_W, expert_b.reshape(_E, 1, D),
                   mps, maxb)
    out = _combine_call(ys, p)
    return out.reshape(B, S, D), loss11.reshape(())

# --- scband reference (transcript-rebuilt; emitter-appended) ---
"""Pipeline reference for scband-mo-elayer-85718957294255 (READ-ONLY COPY).

The authoritative reference and input builder live on the scoring server;
editing this copy changes nothing except your own understanding.
"""

import jax, jax.numpy as jnp
import numpy as np

B, S, D = 2, 2048, 1024
E = 8
LOSS_SCALE = 3e-06


def setup_inputs(seed: int = 0) -> dict:
    key = jax.random.key(seed)
    ks = jax.random.split(key, 5)
    x = jax.random.normal(ks[0], (B, S, D), dtype=jnp.float32)
    router_W = jax.random.normal(ks[1], (E, D), dtype=jnp.float32) * (1.0 / np.sqrt(D))
    router_b = jnp.zeros((E,), dtype=jnp.float32)
    expert_W = jax.random.normal(ks[2], (E, D, D), dtype=jnp.float32) * (1.0 / np.sqrt(D))
    expert_b = jnp.zeros((E, D), dtype=jnp.float32)
    return {"x": x, "router_W": router_W, "router_b": router_b,
            "expert_W": expert_W, "expert_b": expert_b}


def reference(x, router_W, router_b, expert_W, expert_b):
    Bq, Sq, Dq = x.shape
    xt = x.reshape(Bq * Sq, Dq)
    T = xt.shape[0]
    # router
    logits = xt @ router_W.T + router_b
    probs = jax.nn.softmax(logits, axis=1)
    layer = jnp.argmax(probs, axis=1)          # (T,) expert assignment
    maxprob = jnp.max(probs, axis=1)           # (T,) gate value
    # aux load-balancing loss (faithful to torch compute_loss)
    onehot = (layer[:, None] == jnp.arange(E)[None, :]).astype(jnp.float32)  # (T, E)
    fractions = onehot.sum(axis=0) / T
    probability = (onehot * maxprob[:, None]).sum(axis=0) / (T * T)
    loss = jnp.sum(fractions * probability) * LOSS_SCALE * E
    # expert projections: compute all experts densely, then gather per-token assigned expert
    y = jnp.einsum('td,eod->teo', xt, expert_W) + expert_b[None, :, :]  # (T, E, D)
    sel = y[jnp.arange(T), layer, :]                                     # (T, D)
    out = sel * maxprob[:, None]
    return (out.reshape(Bq, Sq, Dq), loss)

if __name__ == "__main__":
    import jax
    _d = setup_inputs()
    print(jax.jit(kernel)(*tuple(_d.values())))

</pallas_src>

<mosaic_0001>
#map = affine_map<(d0, d1) -> (0, 0)>
#map1 = affine_map<(d0, d1) -> (0)>
module attributes {stable_mosaic.version = 14 : i64} {
  func.func @k(%arg0: i32, %arg1: i32, %arg2: memref<4096x1024xf32, #tpu.memory_space<hbm>>, %arg3: memref<4096xi32, #tpu.memory_space<hbm>>, %arg4: memref<4096x128xf32, #tpu.memory_space<hbm>>, %arg5: memref<7680x1024xf32, #tpu.memory_space<hbm>>, %arg6: memref<7680x128xf32, #tpu.memory_space<hbm>>, %arg7: memref<128xi32, #tpu.memory_space<vmem>>, %arg8: memref<32x1024xf32, #tpu.memory_space<vmem>>, %arg9: memref<32x1024xf32, #tpu.memory_space<vmem>>, %arg10: memref<32x128xf32, #tpu.memory_space<vmem>>, %arg11: memref<32x128xf32, #tpu.memory_space<vmem>>, %arg12: memref<!tpu.dma_semaphore, #tpu.memory_space<semaphore_mem>>, %arg13: memref<!tpu.dma_semaphore, #tpu.memory_space<semaphore_mem>>, %arg14: memref<!tpu.dma_semaphore, #tpu.memory_space<semaphore_mem>>, %arg15: memref<!tpu.dma_semaphore, #tpu.memory_space<semaphore_mem>>, %arg16: memref<!tpu.dma_semaphore, #tpu.memory_space<semaphore_mem>>, %arg17: memref<!tpu.dma_semaphore, #tpu.memory_space<semaphore_mem>>, %arg18: memref<!tpu.dma_semaphore, #tpu.memory_space<semaphore_mem>>, %arg19: memref<!tpu.dma_semaphore, #tpu.memory_space<semaphore_mem>>, %arg20: memref<!tpu.dma_semaphore, #tpu.memory_space<semaphore_mem>>) attributes {dimension_semantics = [#tpu.dimension_semantics<core_parallel>, #tpu.dimension_semantics<subcore_parallel>], iteration_bounds = array<i64: 2, 16>, scalar_prefetch = 0 : i64, scratch_operands = 14 : i64, tpu.core_type = #tpu.core_type<sc_vector_subcore>, window_params = [{transform_indices = #map}, {transform_indices = #map1}, {transform_indices = #map}, {transform_indices = #map}, {transform_indices = #map}]} {
    %mul3A = arith.constant 2 : i32
    %mul3A_0 = arith.muli %arg1, %mul3A : i32
    %add3A = arith.addi %mul3A_0, %arg0 : i32
    %mul3A_1 = arith.constant 128 : i32
    %mul3A_2 = arith.muli %add3A, %mul3A_1 : i32
    %dma_start3A = tpu.memref_slice %arg3[%mul3A_2] : memref<4096xi32, #tpu.memory_space<hbm>> -> memref<128xi32, #tpu.memory_space<hbm>>
    %dma_start3A_3 = tpu.memref_slice %arg3[%mul3A_2] : memref<4096xi32, #tpu.memory_space<hbm>> -> memref<128xi32, #tpu.memory_space<hbm>>
    tpu.enqueue_dma source(%dma_start3A_3 : memref<128xi32, #tpu.memory_space<hbm>>) target(%arg7 : memref<128xi32, #tpu.memory_space<vmem>>) target_semaphore(%arg12 : memref<!tpu.dma_semaphore, #tpu.memory_space<semaphore_mem>>)
    %dma_wait3A = tpu.memref_slice %arg3[%mul3A_2] : memref<4096xi32, #tpu.memory_space<hbm>> -> memref<128xi32, #tpu.memory_space<hbm>>
    %dma_wait3A_4 = tpu.memref_slice %arg3[%mul3A_2] : memref<4096xi32, #tpu.memory_space<hbm>> -> memref<128xi32, #tpu.memory_space<hbm>>
    tpu.wait_dma2 semaphore(%arg12 : memref<!tpu.dma_semaphore, #tpu.memory_space<semaphore_mem>>) src(%dma_wait3A_4 : memref<128xi32, #tpu.memory_space<hbm>>) dst(%arg7 : memref<128xi32, #tpu.memory_space<vmem>>)
    %add3A_5 = arith.constant 0 : i32
    %add3A_6 = arith.addi %mul3A_2, %add3A_5 : i32
    %dma_start3A_7 = arith.constant 0 : i32
    %dma_start3A_8 = tpu.memref_slice %arg2[%add3A_6, %dma_start3A_7] : memref<4096x1024xf32, #tpu.memory_space<hbm>> -> memref<32x1024xf32, #tpu.memory_space<hbm>>
    %dma_start3A_9 = arith.constant 0 : i32
    %dma_start3A_10 = tpu.memref_slice %arg2[%add3A_6, %dma_start3A_9] : memref<4096x1024xf32, #tpu.memory_space<hbm>> -> memref<32x1024xf32, #tpu.memory_space<hbm>>
    tpu.enqueue_dma source(%dma_start3A_10 : memref<32x1024xf32, #tpu.memory_space<hbm>>) target(%arg8 : memref<32x1024xf32, #tpu.memory_space<vmem>>) target_semaphore(%arg13 : memref<!tpu.dma_semaphore, #tpu.memory_space<semaphore_mem>>)
    %add3A_11 = arith.constant 0 : i32
    %add3A_12 = arith.addi %mul3A_2, %add3A_11 : i32
    %dma_start3A_13 = arith.constant 0 : i32
    %dma_start3A_14 = tpu.memref_slice %arg4[%add3A_12, %dma_start3A_13] : memref<4096x128xf32, #tpu.memory_space<hbm>> -> memref<32x128xf32, #tpu.memory_space<hbm>>
    %dma_start3A_15 = arith.constant 0 : i32
    %dma_start3A_16 = tpu.memref_slice %arg4[%add3A_12, %dma_start3A_15] : memref<4096x128xf32, #tpu.memory_space<hbm>> -> memref<32x128xf32, #tpu.memory_space<hbm>>
    tpu.enqueue_dma source(%dma_start3A_16 : memref<32x128xf32, #tpu.memory_space<hbm>>) target(%arg10 : memref<32x128xf32, #tpu.memory_space<vmem>>) target_semaphore(%arg15 : memref<!tpu.dma_semaphore, #tpu.memory_space<semaphore_mem>>)
    %add3A_17 = arith.constant 32 : i32
    %add3A_18 = arith.addi %mul3A_2, %add3A_17 : i32
    %dma_start3A_19 = arith.constant 0 : i32
    %dma_start3A_20 = tpu.memref_slice %arg2[%add3A_18, %dma_start3A_19] : memref<4096x1024xf32, #tpu.memory_space<hbm>> -> memref<32x1024xf32, #tpu.memory_space<hbm>>
    %dma_start3A_21 = arith.constant 0 : i32
    %dma_start3A_22 = tpu.memref_slice %arg2[%add3A_18, %dma_start3A_21] : memref<4096x1024xf32, #tpu.memory_space<hbm>> -> memref<32x1024xf32, #tpu.memory_space<hbm>>
    tpu.enqueue_dma source(%dma_start3A_22 : memref<32x1024xf32, #tpu.memory_space<hbm>>) target(%arg9 : memref<32x1024xf32, #tpu.memory_space<vmem>>) target_semaphore(%arg14 : memref<!tpu.dma_semaphore, #tpu.memory_space<semaphore_mem>>)
    %add3A_23 = arith.constant 32 : i32
    %add3A_24 = arith.addi %mul3A_2, %add3A_23 : i32
    %dma_start3A_25 = arith.constant 0 : i32
    %dma_start3A_26 = tpu.memref_slice %arg4[%add3A_24, %dma_start3A_25] : memref<4096x128xf32, #tpu.memory_space<hbm>> -> memref<32x128xf32, #tpu.memory_space<hbm>>
    %dma_start3A_27 = arith.constant 0 : i32
    %dma_start3A_28 = tpu.memref_slice %arg4[%add3A_24, %dma_start3A_27] : memref<4096x128xf32, #tpu.memory_space<hbm>> -> memref<32x128xf32, #tpu.memory_space<hbm>>
    tpu.enqueue_dma source(%dma_start3A_28 : memref<32x128xf32, #tpu.memory_space<hbm>>) target(%arg11 : memref<32x128xf32, #tpu.memory_space<vmem>>) target_semaphore(%arg16 : memref<!tpu.dma_semaphore, #tpu.memory_space<semaphore_mem>>)
    %dma_wait3A_29 = arith.constant 0 : i32
    %dma_wait3A_30 = tpu.memref_slice %arg2[%add3A_6, %dma_wait3A_29] : memref<4096x1024xf32, #tpu.memory_space<hbm>> -> memref<32x1024xf32, #tpu.memory_space<hbm>>
    %dma_wait3A_31 = arith.constant 0 : i32
    %dma_wait3A_32 = tpu.memref_slice %arg2[%add3A_6, %dma_wait3A_31] : memref<4096x1024xf32, #tpu.memory_space<hbm>> -> memref<32x1024xf32, #tpu.memory_space<hbm>>
    tpu.wait_dma2 semaphore(%arg13 : memref<!tpu.dma_semaphore, #tpu.memory_space<semaphore_mem>>) src(%dma_wait3A_32 : memref<32x1024xf32, #tpu.memory_space<hbm>>) dst(%arg8 : memref<32x1024xf32, #tpu.memory_space<vmem>>)
    %dma_wait3A_33 = arith.constant 0 : i32
    %dma_wait3A_34 = tpu.memref_slice %arg4[%add3A_12, %dma_wait3A_33] : memref<4096x128xf32, #tpu.memory_space<hbm>> -> memref<32x128xf32, #tpu.memory_space<hbm>>
    %dma_wait3A_35 = arith.constant 0 : i32
    %dma_wait3A_36 = tpu.memref_slice %arg4[%add3A_12, %dma_wait3A_35] : memref<4096x128xf32, #tpu.memory_space<hbm>> -> memref<32x128xf32, #tpu.memory_space<hbm>>
    tpu.wait_dma2 semaphore(%arg15 : memref<!tpu.dma_semaphore, #tpu.memory_space<semaphore_mem>>) src(%dma_wait3A_36 : memref<32x128xf32, #tpu.memory_space<hbm>>) dst(%arg10 : memref<32x128xf32, #tpu.memory_space<vmem>>)
    %dma_start3A_37 = arith.constant 0 : i32
    %dma_start3A_38 = tpu.memref_slice %arg7[%dma_start3A_37] : memref<128xi32, #tpu.memory_space<vmem>> -> memref<32xi32, #tpu.memory_space<vmem>>
    %dma_start3A_39 = arith.constant 0 : i32
    %dma_start3A_40 = arith.constant 0 : i32
    %dma_start3A_41 = tpu.memref_slice %arg5[%dma_start3A_39, %dma_start3A_40] : memref<7680x1024xf32, #tpu.memory_space<hbm>> -> memref<7680x1024xf32, #tpu.memory_space<hbm>>
    tpu.enqueue_indirect_dma source(%arg8 : memref<32x1024xf32, #tpu.memory_space<vmem>>) target(%dma_start3A_41 : memref<7680x1024xf32, #tpu.memory_space<hbm>>) offsets(%dma_start3A_38 : memref<32xi32, #tpu.memory_space<vmem>>) semaphore(%arg17 : memref<!tpu.dma_semaphore, #tpu.memory_space<semaphore_mem>>)
    %dma_start3A_42 = arith.constant 0 : i32
    %dma_start3A_43 = tpu.memref_slice %arg7[%dma_start3A_42] : memref<128xi32, #tpu.memory_space<vmem>> -> memref<32xi32, #tpu.memory_space<vmem>>
    %dma_start3A_44 = arith.constant 0 : i32
    %dma_start3A_45 = arith.constant 0 : i32
    %dma_start3A_46 = tpu.memref_slice %arg6[%dma_start3A_44, %dma_start3A_45] : memref<7680x128xf32, #tpu.memory_space<hbm>> -> memref<7680x128xf32, #tpu.memory_space<hbm>>
    tpu.enqueue_indirect_dma source(%arg10 : memref<32x128xf32, #tpu.memory_space<vmem>>) target(%dma_start3A_46 : memref<7680x128xf32, #tpu.memory_space<hbm>>) offsets(%dma_start3A_43 : memref<32xi32, #tpu.memory_space<vmem>>) semaphore(%arg19 : memref<!tpu.dma_semaphore, #tpu.memory_space<semaphore_mem>>)
    %dma_wait3A_47 = arith.constant 0 : i32
    %dma_wait3A_48 = tpu.memref_slice %arg7[%dma_wait3A_47] : memref<128xi32, #tpu.memory_space<vmem>> -> memref<32xi32, #tpu.memory_space<vmem>>
    %dma_wait3A_49 = arith.constant 0 : i32
    %dma_wait3A_50 = arith.constant 0 : i32
    %dma_wait3A_51 = tpu.memref_slice %arg5[%dma_wait3A_49, %dma_wait3A_50] : memref<7680x1024xf32, #tpu.memory_space<hbm>> -> memref<7680x1024xf32, #tpu.memory_space<hbm>>
    tpu.wait_indirect_dma semaphore(%arg17 : memref<!tpu.dma_semaphore, #tpu.memory_space<semaphore_mem>>) src(%arg8 : memref<32x1024xf32, #tpu.memory_space<vmem>>) dst(%dma_wait3A_51 : memref<7680x1024xf32, #tpu.memory_space<hbm>>)
    %dma_wait3A_52 = arith.constant 0 : i32
    %dma_wait3A_53 = tpu.memref_slice %arg7[%dma_wait3A_52] : memref<128xi32, #tpu.memory_space<vmem>> -> memref<32xi32, #tpu.memory_space<vmem>>
    %dma_wait3A_54 = arith.constant 0 : i32
    %dma_wait3A_55 = arith.constant 0 : i32
    %dma_wait3A_56 = tpu.memref_slice %arg6[%dma_wait3A_54, %dma_wait3A_55] : memref<7680x128xf32, #tpu.memory_space<hbm>> -> memref<7680x128xf32, #tpu.memory_space<hbm>>
    tpu.wait_indirect_dma semaphore(%arg19 : memref<!tpu.dma_semaphore, #tpu.memory_space<semaphore_mem>>) src(%arg10 : memref<32x128xf32, #tpu.memory_space<vmem>>) dst(%dma_wait3A_56 : memref<7680x128xf32, #tpu.memory_space<hbm>>)
    %add3A_57 = arith.constant 64 : i32
    %add3A_58 = arith.addi %mul3A_2, %add3A_57 : i32
    %dma_start3A_59 = arith.constant 0 : i32
    %dma_start3A_60 = tpu.memref_slice %arg2[%add3A_58, %dma_start3A_59] : memref<4096x1024xf32, #tpu.memory_space<hbm>> -> memref<32x1024xf32, #tpu.memory_space<hbm>>
    %dma_start3A_61 = arith.constant 0 : i32
    %dma_start3A_62 = tpu.memref_slice %arg2[%add3A_58, %dma_start3A_61] : memref<4096x1024xf32, #tpu.memory_space<hbm>> -> memref<32x1024xf32, #tpu.memory_space<hbm>>
    tpu.enqueue_dma source(%dma_start3A_62 : memref<32x1024xf32, #tpu.memory_space<hbm>>) target(%arg8 : memref<32x1024xf32, #tpu.memory_space<vmem>>) target_semaphore(%arg13 : memref<!tpu.dma_semaphore, #tpu.memory_space<semaphore_mem>>)
    %add3A_63 = arith.constant 64 : i32
    %add3A_64 = arith.addi %mul3A_2, %add3A_63 : i32
    %dma_start3A_65 = arith.constant 0 : i32
    %dma_start3A_66 = tpu.memref_slice %arg4[%add3A_64, %dma_start3A_65] : memref<4096x128xf32, #tpu.memory_space<hbm>> -> memref<32x128xf32, #tpu.memory_space<hbm>>
    %dma_start3A_67 = arith.constant 0 : i32
    %dma_start3A_68 = tpu.memref_slice %arg4[%add3A_64, %dma_start3A_67] : memref<4096x128xf32, #tpu.memory_space<hbm>> -> memref<32x128xf32, #tpu.memory_space<hbm>>
    tpu.enqueue_dma source(%dma_start3A_68 : memref<32x128xf32, #tpu.memory_space<hbm>>) target(%arg10 : memref<32x128xf32, #tpu.memory_space<vmem>>) target_semaphore(%arg15 : memref<!tpu.dma_semaphore, #tpu.memory_space<semaphore_mem>>)
    %dma_wait3A_69 = arith.constant 0 : i32
    %dma_wait3A_70 = tpu.memref_slice %arg2[%add3A_18, %dma_wait3A_69] : memref<4096x1024xf32, #tpu.memory_space<hbm>> -> memref<32x1024xf32, #tpu.memory_space<hbm>>
    %dma_wait3A_71 = arith.constant 0 : i32
    %dma_wait3A_72 = tpu.memref_slice %arg2[%add3A_18, %dma_wait3A_71] : memref<4096x1024xf32, #tpu.memory_space<hbm>> -> memref<32x1024xf32, #tpu.memory_space<hbm>>
    tpu.wait_dma2 semaphore(%arg14 : memref<!tpu.dma_semaphore, #tpu.memory_space<semaphore_mem>>) src(%dma_wait3A_72 : memref<32x1024xf32, #tpu.memory_space<hbm>>) dst(%arg9 : memref<32x1024xf32, #tpu.memory_space<vmem>>)
    %dma_wait3A_73 = arith.constant 0 : i32
    %dma_wait3A_74 = tpu.memref_slice %arg4[%add3A_24, %dma_wait3A_73] : memref<4096x128xf32, #tpu.memory_space<hbm>> -> memref<32x128xf32, #tpu.memory_space<hbm>>
    %dma_wait3A_75 = arith.constant 0 : i32
    %dma_wait3A_76 = tpu.memref_slice %arg4[%add3A_24, %dma_wait3A_75] : memref<4096x128xf32, #tpu.memory_space<hbm>> -> memref<32x128xf32, #tpu.memory_space<hbm>>
    tpu.wait_dma2 semaphore(%arg16 : memref<!tpu.dma_semaphore, #tpu.memory_space<semaphore_mem>>) src(%dma_wait3A_76 : memref<32x128xf32, #tpu.memory_space<hbm>>) dst(%arg11 : memref<32x128xf32, #tpu.memory_space<vmem>>)
    %dma_start3A_77 = arith.constant 32 : i32
    %dma_start3A_78 = tpu.memref_slice %arg7[%dma_start3A_77] : memref<128xi32, #tpu.memory_space<vmem>> -> memref<32xi32, #tpu.memory_space<vmem>>
    %dma_start3A_79 = arith.constant 0 : i32
    %dma_start3A_80 = arith.constant 0 : i32
    %dma_start3A_81 = tpu.memref_slice %arg5[%dma_start3A_79, %dma_start3A_80] : memref<7680x1024xf32, #tpu.memory_space<hbm>> -> memref<7680x1024xf32, #tpu.memory_space<hbm>>
    tpu.enqueue_indirect_dma source(%arg9 : memref<32x1024xf32, #tpu.memory_space<vmem>>) target(%dma_start3A_81 : memref<7680x1024xf32, #tpu.memory_space<hbm>>) offsets(%dma_start3A_78 : memref<32xi32, #tpu.memory_space<vmem>>) semaphore(%arg18 : memref<!tpu.dma_semaphore, #tpu.memory_space<semaphore_mem>>)
    %dma_start3A_82 = arith.constant 32 : i32
    %dma_start3A_83 = tpu.memref_slice %arg7[%dma_start3A_82] : memref<128xi32, #tpu.memory_space<vmem>> -> memref<32xi32, #tpu.memory_space<vmem>>
    %dma_start3A_84 = arith.constant 0 : i32
    %dma_start3A_85 = arith.constant 0 : i32
    %dma_start3A_86 = tpu.memref_slice %arg6[%dma_start3A_84, %dma_start3A_85] : memref<7680x128xf32, #tpu.memory_space<hbm>> -> memref<7680x128xf32, #tpu.memory_space<hbm>>
    tpu.enqueue_indirect_dma source(%arg11 : memref<32x128xf32, #tpu.memory_space<vmem>>) target(%dma_start3A_86 : memref<7680x128xf32, #tpu.memory_space<hbm>>) offsets(%dma_start3A_83 : memref<32xi32, #tpu.memory_space<vmem>>) semaphore(%arg20 : memref<!tpu.dma_semaphore, #tpu.memory_space<semaphore_mem>>)
    %dma_wait3A_87 = arith.constant 32 : i32
    %dma_wait3A_88 = tpu.memref_slice %arg7[%dma_wait3A_87] : memref<128xi32, #tpu.memory_space<vmem>> -> memref<32xi32, #tpu.memory_space<vmem>>
    %dma_wait3A_89 = arith.constant 0 : i32
    %dma_wait3A_90 = arith.constant 0 : i32
    %dma_wait3A_91 = tpu.memref_slice %arg5[%dma_wait3A_89, %dma_wait3A_90] : memref<7680x1024xf32, #tpu.memory_space<hbm>> -> memref<7680x1024xf32, #tpu.memory_space<hbm>>
    tpu.wait_indirect_dma semaphore(%arg18 : memref<!tpu.dma_semaphore, #tpu.memory_space<semaphore_mem>>) src(%arg9 : memref<32x1024xf32, #tpu.memory_space<vmem>>) dst(%dma_wait3A_91 : memref<7680x1024xf32, #tpu.memory_space<hbm>>)
    %dma_wait3A_92 = arith.constant 32 : i32
    %dma_wait3A_93 = tpu.memref_slice %arg7[%dma_wait3A_92] : memref<128xi32, #tpu.memory_space<vmem>> -> memref<32xi32, #tpu.memory_space<vmem>>
    %dma_wait3A_94 = arith.constant 0 : i32
    %dma_wait3A_95 = arith.constant 0 : i32
    %dma_wait3A_96 = tpu.memref_slice %arg6[%dma_wait3A_94, %dma_wait3A_95] : memref<7680x128xf32, #tpu.memory_space<hbm>> -> memref<7680x128xf32, #tpu.memory_space<hbm>>
    tpu.wait_indirect_dma semaphore(%arg20 : memref<!tpu.dma_semaphore, #tpu.memory_space<semaphore_mem>>) src(%arg11 : memref<32x128xf32, #tpu.memory_space<vmem>>) dst(%dma_wait3A_96 : memref<7680x128xf32, #tpu.memory_space<hbm>>)
    %add3A_97 = arith.constant 96 : i32
    %add3A_98 = arith.addi %mul3A_2, %add3A_97 : i32
    %dma_start3A_99 = arith.constant 0 : i32
    %dma_start3A_100 = tpu.memref_slice %arg2[%add3A_98, %dma_start3A_99] : memref<4096x1024xf32, #tpu.memory_space<hbm>> -> memref<32x1024xf32, #tpu.memory_space<hbm>>
    %dma_start3A_101 = arith.constant 0 : i32
    %dma_start3A_102 = tpu.memref_slice %arg2[%add3A_98, %dma_start3A_101] : memref<4096x1024xf32, #tpu.memory_space<hbm>> -> memref<32x1024xf32, #tpu.memory_space<hbm>>
    tpu.enqueue_dma source(%dma_start3A_102 : memref<32x1024xf32, #tpu.memory_space<hbm>>) target(%arg9 : memref<32x1024xf32, #tpu.memory_space<vmem>>) target_semaphore(%arg14 : memref<!tpu.dma_semaphore, #tpu.memory_space<semaphore_mem>>)
    %add3A_103 = arith.constant 96 : i32
    %add3A_104 = arith.addi %mul3A_2, %add3A_103 : i32
    %dma_start3A_105 = arith.constant 0 : i32
    %dma_start3A_106 = tpu.memref_slice %arg4[%add3A_104, %dma_start3A_105] : memref<4096x128xf32, #tpu.memory_space<hbm>> -> memref<32x128xf32, #tpu.memory_space<hbm>>
    %dma_start3A_107 = arith.constant 0 : i32
    %dma_start3A_108 = tpu.memref_slice %arg4[%add3A_104, %dma_start3A_107] : memref<4096x128xf32, #tpu.memory_space<hbm>> -> memref<32x128xf32, #tpu.memory_space<hbm>>
    tpu.enqueue_dma source(%dma_start3A_108 : memref<32x128xf32, #tpu.memory_space<hbm>>) target(%arg11 : memref<32x128xf32, #tpu.memory_space<vmem>>) target_semaphore(%arg16 : memref<!tpu.dma_semaphore, #tpu.memory_space<semaphore_mem>>)
    %dma_wait3A_109 = arith.constant 0 : i32
    %dma_wait3A_110 = tpu.memref_slice %arg2[%add3A_58, %dma_wait3A_109] : memref<4096x1024xf32, #tpu.memory_space<hbm>> -> memref<32x1024xf32, #tpu.memory_space<hbm>>
    %dma_wait3A_111 = arith.constant 0 : i32
    %dma_wait3A_112 = tpu.memref_slice %arg2[%add3A_58, %dma_wait3A_111] : memref<4096x1024xf32, #tpu.memory_space<hbm>> -> memref<32x1024xf32, #tpu.memory_space<hbm>>
    tpu.wait_dma2 semaphore(%arg13 : memref<!tpu.dma_semaphore, #tpu.memory_space<semaphore_mem>>) src(%dma_wait3A_112 : memref<32x1024xf32, #tpu.memory_space<hbm>>) dst(%arg8 : memref<32x1024xf32, #tpu.memory_space<vmem>>)
    %dma_wait3A_113 = arith.constant 0 : i32
    %dma_wait3A_114 = tpu.memref_slice %arg4[%add3A_64, %dma_wait3A_113] : memref<4096x128xf32, #tpu.memory_space<hbm>> -> memref<32x128xf32, #tpu.memory_space<hbm>>
    %dma_wait3A_115 = arith.constant 0 : i32
    %dma_wait3A_116 = tpu.memref_slice %arg4[%add3A_64, %dma_wait3A_115] : memref<4096x128xf32, #tpu.memory_space<hbm>> -> memref<32x128xf32, #tpu.memory_space<hbm>>
    tpu.wait_dma2 semaphore(%arg15 : memref<!tpu.dma_semaphore, #tpu.memory_space<semaphore_mem>>) src(%dma_wait3A_116 : memref<32x128xf32, #tpu.memory_space<hbm>>) dst(%arg10 : memref<32x128xf32, #tpu.memory_space<vmem>>)
    %dma_start3A_117 = arith.constant 64 : i32
    %dma_start3A_118 = tpu.memref_slice %arg7[%dma_start3A_117] : memref<128xi32, #tpu.memory_space<vmem>> -> memref<32xi32, #tpu.memory_space<vmem>>
    %dma_start3A_119 = arith.constant 0 : i32
    %dma_start3A_120 = arith.constant 0 : i32
    %dma_start3A_121 = tpu.memref_slice %arg5[%dma_start3A_119, %dma_start3A_120] : memref<7680x1024xf32, #tpu.memory_space<hbm>> -> memref<7680x1024xf32, #tpu.memory_space<hbm>>
    tpu.enqueue_indirect_dma source(%arg8 : memref<32x1024xf32, #tpu.memory_space<vmem>>) target(%dma_start3A_121 : memref<7680x1024xf32, #tpu.memory_space<hbm>>) offsets(%dma_start3A_118 : memref<32xi32, #tpu.memory_space<vmem>>) semaphore(%arg17 : memref<!tpu.dma_semaphore, #tpu.memory_space<semaphore_mem>>)
    %dma_start3A_122 = arith.constant 64 : i32
    %dma_start3A_123 = tpu.memref_slice %arg7[%dma_start3A_122] : memref<128xi32, #tpu.memory_space<vmem>> -> memref<32xi32, #tpu.memory_space<vmem>>
    %dma_start3A_124 = arith.constant 0 : i32
    %dma_start3A_125 = arith.constant 0 : i32
    %dma_start3A_126 = tpu.memref_slice %arg6[%dma_start3A_124, %dma_start3A_125] : memref<7680x128xf32, #tpu.memory_space<hbm>> -> memref<7680x128xf32, #tpu.memory_space<hbm>>
    tpu.enqueue_indirect_dma source(%arg10 : memref<32x128xf32, #tpu.memory_space<vmem>>) target(%dma_start3A_126 : memref<7680x128xf32, #tpu.memory_space<hbm>>) offsets(%dma_start3A_123 : memref<32xi32, #tpu.memory_space<vmem>>) semaphore(%arg19 : memref<!tpu.dma_semaphore, #tpu.memory_space<semaphore_mem>>)
    %dma_wait3A_127 = arith.constant 0 : i32
    %dma_wait3A_128 = tpu.memref_slice %arg2[%add3A_98, %dma_wait3A_127] : memref<4096x1024xf32, #tpu.memory_space<hbm>> -> memref<32x1024xf32, #tpu.memory_space<hbm>>
    %dma_wait3A_129 = arith.constant 0 : i32
    %dma_wait3A_130 = tpu.memref_slice %arg2[%add3A_98, %dma_wait3A_129] : memref<4096x1024xf32, #tpu.memory_space<hbm>> -> memref<32x1024xf32, #tpu.memory_space<hbm>>
    tpu.wait_dma2 semaphore(%arg14 : memref<!tpu.dma_semaphore, #tpu.memory_space<semaphore_mem>>) src(%dma_wait3A_130 : memref<32x1024xf32, #tpu.memory_space<hbm>>) dst(%arg9 : memref<32x1024xf32, #tpu.memory_space<vmem>>)
    %dma_wait3A_131 = arith.constant 0 : i32
    %dma_wait3A_132 = tpu.memref_slice %arg4[%add3A_104, %dma_wait3A_131] : memref<4096x128xf32, #tpu.memory_space<hbm>> -> memref<32x128xf32, #tpu.memory_space<hbm>>
    %dma_wait3A_133 = arith.constant 0 : i32
    %dma_wait3A_134 = tpu.memref_slice %arg4[%add3A_104, %dma_wait3A_133] : memref<4096x128xf32, #tpu.memory_space<hbm>> -> memref<32x128xf32, #tpu.memory_space<hbm>>
    tpu.wait_dma2 semaphore(%arg16 : memref<!tpu.dma_semaphore, #tpu.memory_space<semaphore_mem>>) src(%dma_wait3A_134 : memref<32x128xf32, #tpu.memory_space<hbm>>) dst(%arg11 : memref<32x128xf32, #tpu.memory_space<vmem>>)
    %dma_start3A_135 = arith.constant 96 : i32
    %dma_start3A_136 = tpu.memref_slice %arg7[%dma_start3A_135] : memref<128xi32, #tpu.memory_space<vmem>> -> memref<32xi32, #tpu.memory_space<vmem>>
    %dma_start3A_137 = arith.constant 0 : i32
    %dma_start3A_138 = arith.constant 0 : i32
    %dma_start3A_139 = tpu.memref_slice %arg5[%dma_start3A_137, %dma_start3A_138] : memref<7680x1024xf32, #tpu.memory_space<hbm>> -> memref<7680x1024xf32, #tpu.memory_space<hbm>>
    tpu.enqueue_indirect_dma source(%arg9 : memref<32x1024xf32, #tpu.memory_space<vmem>>) target(%dma_start3A_139 : memref<7680x1024xf32, #tpu.memory_space<hbm>>) offsets(%dma_start3A_136 : memref<32xi32, #tpu.memory_space<vmem>>) semaphore(%arg18 : memref<!tpu.dma_semaphore, #tpu.memory_space<semaphore_mem>>)
    %dma_start3A_140 = arith.constant 96 : i32
    %dma_start3A_141 = tpu.memref_slice %arg7[%dma_start3A_140] : memref<128xi32, #tpu.memory_space<vmem>> -> memref<32xi32, #tpu.memory_space<vmem>>
    %dma_start3A_142 = arith.constant 0 : i32
    %dma_start3A_143 = arith.constant 0 : i32
    %dma_start3A_144 = tpu.memref_slice %arg6[%dma_start3A_142, %dma_start3A_143] : memref<7680x128xf32, #tpu.memory_space<hbm>> -> memref<7680x128xf32, #tpu.memory_space<hbm>>
    tpu.enqueue_indirect_dma source(%arg11 : memref<32x128xf32, #tpu.memory_space<vmem>>) target(%dma_start3A_144 : memref<7680x128xf32, #tpu.memory_space<hbm>>) offsets(%dma_start3A_141 : memref<32xi32, #tpu.memory_space<vmem>>) semaphore(%arg20 : memref<!tpu.dma_semaphore, #tpu.memory_space<semaphore_mem>>)
    %dma_wait3A_145 = arith.constant 64 : i32
    %dma_wait3A_146 = tpu.memref_slice %arg7[%dma_wait3A_145] : memref<128xi32, #tpu.memory_space<vmem>> -> memref<32xi32, #tpu.memory_space<vmem>>
    %dma_wait3A_147 = arith.constant 0 : i32
    %dma_wait3A_148 = arith.constant 0 : i32
    %dma_wait3A_149 = tpu.memref_slice %arg5[%dma_wait3A_147, %dma_wait3A_148] : memref<7680x1024xf32, #tpu.memory_space<hbm>> -> memref<7680x1024xf32, #tpu.memory_space<hbm>>
    tpu.wait_indirect_dma semaphore(%arg17 : memref<!tpu.dma_semaphore, #tpu.memory_space<semaphore_mem>>) src(%arg8 : memref<32x1024xf32, #tpu.memory_space<vmem>>) dst(%dma_wait3A_149 : memref<7680x1024xf32, #tpu.memory_space<hbm>>)
    %dma_wait3A_150 = arith.constant 64 : i32
    %dma_wait3A_151 = tpu.memref_slice %arg7[%dma_wait3A_150] : memref<128xi32, #tpu.memory_space<vmem>> -> memref<32xi32, #tpu.memory_space<vmem>>
    %dma_wait3A_152 = arith.constant 0 : i32
    %dma_wait3A_153 = arith.constant 0 : i32
    %dma_wait3A_154 = tpu.memref_slice %arg6[%dma_wait3A_152, %dma_wait3A_153] : memref<7680x128xf32, #tpu.memory_space<hbm>> -> memref<7680x128xf32, #tpu.memory_space<hbm>>
    tpu.wait_indirect_dma semaphore(%arg19 : memref<!tpu.dma_semaphore, #tpu.memory_space<semaphore_mem>>) src(%arg10 : memref<32x128xf32, #tpu.memory_space<vmem>>) dst(%dma_wait3A_154 : memref<7680x128xf32, #tpu.memory_space<hbm>>)
    %dma_wait3A_155 = arith.constant 96 : i32
    %dma_wait3A_156 = tpu.memref_slice %arg7[%dma_wait3A_155] : memref<128xi32, #tpu.memory_space<vmem>> -> memref<32xi32, #tpu.memory_space<vmem>>
    %dma_wait3A_157 = arith.constant 0 : i32
    %dma_wait3A_158 = arith.constant 0 : i32
    %dma_wait3A_159 = tpu.memref_slice %arg5[%dma_wait3A_157, %dma_wait3A_158] : memref<7680x1024xf32, #tpu.memory_space<hbm>> -> memref<7680x1024xf32, #tpu.memory_space<hbm>>
    tpu.wait_indirect_dma semaphore(%arg18 : memref<!tpu.dma_semaphore, #tpu.memory_space<semaphore_mem>>) src(%arg9 : memref<32x1024xf32, #tpu.memory_space<vmem>>) dst(%dma_wait3A_159 : memref<7680x1024xf32, #tpu.memory_space<hbm>>)
    %dma_wait3A_160 = arith.constant 96 : i32
    %dma_wait3A_161 = tpu.memref_slice %arg7[%dma_wait3A_160] : memref<128xi32, #tpu.memory_space<vmem>> -> memref<32xi32, #tpu.memory_space<vmem>>
    %dma_wait3A_162 = arith.constant 0 : i32
    %dma_wait3A_163 = arith.constant 0 : i32
    %dma_wait3A_164 = tpu.memref_slice %arg6[%dma_wait3A_162, %dma_wait3A_163] : memref<7680x128xf32, #tpu.memory_space<hbm>> -> memref<7680x128xf32, #tpu.memory_space<hbm>>
    tpu.wait_indirect_dma semaphore(%arg20 : memref<!tpu.dma_semaphore, #tpu.memory_space<semaphore_mem>>) src(%arg11 : memref<32x128xf32, #tpu.memory_space<vmem>>) dst(%dma_wait3A_164 : memref<7680x128xf32, #tpu.memory_space<hbm>>)
    return
  }
}

#map = affine_map<(d0, d1) -> (0, 0)>
#map1 = affine_map<(d0, d1) -> (0)>
module attributes {stable_mosaic.version = 14 : i64} {
  func.func @k(%arg0: i32, %arg1: i32, %arg2: memref<7680x1024xf32, #tpu.memory_space<hbm>>, %arg3: memref<4096xi32, #tpu.memory_space<hbm>>, %arg4: memref<4096x1024xf32, #tpu.memory_space<hbm>>, %arg5: memref<128xi32, #tpu.memory_space<vmem>>, %arg6: memref<32x1024xf32, #tpu.memory_space<vmem>>, %arg7: memref<32x1024xf32, #tpu.memory_space<vmem>>, %arg8: memref<!tpu.dma_semaphore, #tpu.memory_space<semaphore_mem>>, %arg9: memref<!tpu.dma_semaphore, #tpu.memory_space<semaphore_mem>>, %arg10: memref<!tpu.dma_semaphore, #tpu.memory_space<semaphore_mem>>, %arg11: memref<!tpu.dma_semaphore, #tpu.memory_space<semaphore_mem>>, %arg12: memref<!tpu.dma_semaphore, #tpu.memory_space<semaphore_mem>>) attributes {dimension_semantics = [#tpu.dimension_semantics<core_parallel>, #tpu.dimension_semantics<subcore_parallel>], iteration_bounds = array<i64: 2, 16>, scalar_prefetch = 0 : i64, scratch_operands = 8 : i64, tpu.core_type = #tpu.core_type<sc_vector_subcore>, window_params = [{transform_indices = #map}, {transform_indices = #map1}, {transform_indices = #map}]} {
    %mul3A = arith.constant 2 : i32
    %mul3A_0 = arith.muli %arg1, %mul3A : i32
    %add3A = arith.addi %mul3A_0, %arg0 : i32
    %mul3A_1 = arith.constant 128 : i32
    %mul3A_2 = arith.muli %add3A, %mul3A_1 : i32
    %dma_start3A = tpu.memref_slice %arg3[%mul3A_2] : memref<4096xi32, #tpu.memory_space<hbm>> -> memref<128xi32, #tpu.memory_space<hbm>>
    %dma_start3A_3 = tpu.memref_slice %arg3[%mul3A_2] : memref<4096xi32, #tpu.memory_space<hbm>> -> memref<128xi32, #tpu.memory_space<hbm>>
    tpu.enqueue_dma source(%dma_start3A_3 : memref<128xi32, #tpu.memory_space<hbm>>) target(%arg5 : memref<128xi32, #tpu.memory_space<vmem>>) target_semaphore(%arg8 : memref<!tpu.dma_semaphore, #tpu.memory_space<semaphore_mem>>)
    %dma_wait3A = tpu.memref_slice %arg3[%mul3A_2] : memref<4096xi32, #tpu.memory_space<hbm>> -> memref<128xi32, #tpu.memory_space<hbm>>
    %dma_wait3A_4 = tpu.memref_slice %arg3[%mul3A_2] : memref<4096xi32, #tpu.memory_space<hbm>> -> memref<128xi32, #tpu.memory_space<hbm>>
    tpu.wait_dma2 semaphore(%arg8 : memref<!tpu.dma_semaphore, #tpu.memory_space<semaphore_mem>>) src(%dma_wait3A_4 : memref<128xi32, #tpu.memory_space<hbm>>) dst(%arg5 : memref<128xi32, #tpu.memory_space<vmem>>)
    %dma_start3A_5 = arith.constant 0 : i32
    %dma_start3A_6 = tpu.memref_slice %arg5[%dma_start3A_5] : memref<128xi32, #tpu.memory_space<vmem>> -> memref<32xi32, #tpu.memory_space<vmem>>
    %dma_start3A_7 = arith.constant 0 : i32
    %dma_start3A_8 = arith.constant 0 : i32
    %dma_start3A_9 = tpu.memref_slice %arg2[%dma_start3A_7, %dma_start3A_8] : memref<7680x1024xf32, #tpu.memory_space<hbm>> -> memref<7680x1024xf32, #tpu.memory_space<hbm>>
    tpu.enqueue_indirect_dma source(%dma_start3A_9 : memref<7680x1024xf32, #tpu.memory_space<hbm>>) target(%arg6 : memref<32x1024xf32, #tpu.memory_space<vmem>>) offsets(%dma_start3A_6 : memref<32xi32, #tpu.memory_space<vmem>>) semaphore(%arg9 : memref<!tpu.dma_semaphore, #tpu.memory_space<semaphore_mem>>)
    %dma_start3A_10 = arith.constant 32 : i32
    %dma_start3A_11 = tpu.memref_slice %arg5[%dma_start3A_10] : memref<128xi32, #tpu.memory_space<vmem>> -> memref<32xi32, #tpu.memory_space<vmem>>
    %dma_start3A_12 = arith.constant 0 : i32
    %dma_start3A_13 = arith.constant 0 : i32
    %dma_start3A_14 = tpu.memref_slice %arg2[%dma_start3A_12, %dma_start3A_13] : memref<7680x1024xf32, #tpu.memory_space<hbm>> -> memref<7680x1024xf32, #tpu.memory_space<hbm>>
    tpu.enqueue_indirect_dma source(%dma_start3A_14 : memref<7680x1024xf32, #tpu.memory_space<hbm>>) target(%arg7 : memref<32x1024xf32, #tpu.memory_space<vmem>>) offsets(%dma_start3A_11 : memref<32xi32, #tpu.memory_space<vmem>>) semaphore(%arg10 : memref<!tpu.dma_semaphore, #tpu.memory_space<semaphore_mem>>)
    %dma_wait3A_15 = arith.constant 0 : i32
    %dma_wait3A_16 = tpu.memref_slice %arg5[%dma_wait3A_15] : memref<128xi32, #tpu.memory_space<vmem>> -> memref<32xi32, #tpu.memory_space<vmem>>
    %dma_wait3A_17 = arith.constant 0 : i32
    %dma_wait3A_18 = arith.constant 0 : i32
    %dma_wait3A_19 = tpu.memref_slice %arg2[%dma_wait3A_17, %dma_wait3A_18] : memref<7680x1024xf32, #tpu.memory_space<hbm>> -> memref<7680x1024xf32, #tpu.memory_space<hbm>>
    tpu.wait_indirect_dma semaphore(%arg9 : memref<!tpu.dma_semaphore, #tpu.memory_space<semaphore_mem>>) src(%dma_wait3A_19 : memref<7680x1024xf32, #tpu.memory_space<hbm>>) dst(%arg6 : memref<32x1024xf32, #tpu.memory_space<vmem>>)
    %add3A_20 = arith.constant 0 : i32
    %add3A_21 = arith.addi %mul3A_2, %add3A_20 : i32
    %dma_start3A_22 = arith.constant 0 : i32
    %dma_start3A_23 = tpu.memref_slice %arg4[%add3A_21, %dma_start3A_22] : memref<4096x1024xf32, #tpu.memory_space<hbm>> -> memref<32x1024xf32, #tpu.memory_space<hbm>>
    %dma_start3A_24 = arith.constant 0 : i32
    %dma_start3A_25 = tpu.memref_slice %arg4[%add3A_21, %dma_start3A_24] : memref<4096x1024xf32, #tpu.memory_space<hbm>> -> memref<32x1024xf32, #tpu.memory_space<hbm>>
    tpu.enqueue_dma source(%arg6 : memref<32x1024xf32, #tpu.memory_space<vmem>>) target(%dma_start3A_25 : memref<32x1024xf32, #tpu.memory_space<hbm>>) target_semaphore(%arg11 : memref<!tpu.dma_semaphore, #tpu.memory_space<semaphore_mem>>)
    %dma_wait3A_26 = arith.constant 0 : i32
    %dma_wait3A_27 = tpu.memref_slice %arg4[%add3A_21, %dma_wait3A_26] : memref<4096x1024xf32, #tpu.memory_space<hbm>> -> memref<32x1024xf32, #tpu.memory_space<hbm>>
    %dma_wait3A_28 = arith.constant 0 : i32
    %dma_wait3A_29 = tpu.memref_slice %arg4[%add3A_21, %dma_wait3A_28] : memref<4096x1024xf32, #tpu.memory_space<hbm>> -> memref<32x1024xf32, #tpu.memory_space<hbm>>
    tpu.wait_dma2 semaphore(%arg11 : memref<!tpu.dma_semaphore, #tpu.memory_space<semaphore_mem>>) src(%arg6 : memref<32x1024xf32, #tpu.memory_space<vmem>>) dst(%dma_wait3A_29 : memref<32x1024xf32, #tpu.memory_space<hbm>>)
    %dma_start3A_30 = arith.constant 64 : i32
    %dma_start3A_31 = tpu.memref_slice %arg5[%dma_start3A_30] : memref<128xi32, #tpu.memory_space<vmem>> -> memref<32xi32, #tpu.memory_space<vmem>>
    %dma_start3A_32 = arith.constant 0 : i32
    %dma_start3A_33 = arith.constant 0 : i32
    %dma_start3A_34 = tpu.memref_slice %arg2[%dma_start3A_32, %dma_start3A_33] : memref<7680x1024xf32, #tpu.memory_space<hbm>> -> memref<7680x1024xf32, #tpu.memory_space<hbm>>
    tpu.enqueue_indirect_dma source(%dma_start3A_34 : memref<7680x1024xf32, #tpu.memory_space<hbm>>) target(%arg6 : memref<32x1024xf32, #tpu.memory_space<vmem>>) offsets(%dma_start3A_31 : memref<32xi32, #tpu.memory_space<vmem>>) semaphore(%arg9 : memref<!tpu.dma_semaphore, #tpu.memory_space<semaphore_mem>>)
    %dma_wait3A_35 = arith.constant 32 : i32
    %dma_wait3A_36 = tpu.memref_slice %arg5[%dma_wait3A_35] : memref<128xi32, #tpu.memory_space<vmem>> -> memref<32xi32, #tpu.memory_space<vmem>>
    %dma_wait3A_37 = arith.constant 0 : i32
    %dma_wait3A_38 = arith.constant 0 : i32
    %dma_wait3A_39 = tpu.memref_slice %arg2[%dma_wait3A_37, %dma_wait3A_38] : memref<7680x1024xf32, #tpu.memory_space<hbm>> -> memref<7680x1024xf32, #tpu.memory_space<hbm>>
    tpu.wait_indirect_dma semaphore(%arg10 : memref<!tpu.dma_semaphore, #tpu.memory_space<semaphore_mem>>) src(%dma_wait3A_39 : memref<7680x1024xf32, #tpu.memory_space<hbm>>) dst(%arg7 : memref<32x1024xf32, #tpu.memory_space<vmem>>)
    %add3A_40 = arith.constant 32 : i32
    %add3A_41 = arith.addi %mul3A_2, %add3A_40 : i32
    %dma_start3A_42 = arith.constant 0 : i32
    %dma_start3A_43 = tpu.memref_slice %arg4[%add3A_41, %dma_start3A_42] : memref<4096x1024xf32, #tpu.memory_space<hbm>> -> memref<32x1024xf32, #tpu.memory_space<hbm>>
    %dma_start3A_44 = arith.constant 0 : i32
    %dma_start3A_45 = tpu.memref_slice %arg4[%add3A_41, %dma_start3A_44] : memref<4096x1024xf32, #tpu.memory_space<hbm>> -> memref<32x1024xf32, #tpu.memory_space<hbm>>
    tpu.enqueue_dma source(%arg7 : memref<32x1024xf32, #tpu.memory_space<vmem>>) target(%dma_start3A_45 : memref<32x1024xf32, #tpu.memory_space<hbm>>) target_semaphore(%arg12 : memref<!tpu.dma_semaphore, #tpu.memory_space<semaphore_mem>>)
    %dma_wait3A_46 = arith.constant 0 : i32
    %dma_wait3A_47 = tpu.memref_slice %arg4[%add3A_41, %dma_wait3A_46] : memref<4096x1024xf32, #tpu.memory_space<hbm>> -> memref<32x1024xf32, #tpu.memory_space<hbm>>
    %dma_wait3A_48 = arith.constant 0 : i32
    %dma_wait3A_49 = tpu.memref_slice %arg4[%add3A_41, %dma_wait3A_48] : memref<4096x1024xf32, #tpu.memory_space<hbm>> -> memref<32x1024xf32, #tpu.memory_space<hbm>>
    tpu.wait_dma2 semaphore(%arg12 : memref<!tpu.dma_semaphore, #tpu.memory_space<semaphore_mem>>) src(%arg7 : memref<32x1024xf32, #tpu.memory_space<vmem>>) dst(%dma_wait3A_49 : memref<32x1024xf32, #tpu.memory_space<hbm>>)
    %dma_start3A_50 = arith.constant 96 : i32
    %dma_start3A_51 = tpu.memref_slice %arg5[%dma_start3A_50] : memref<128xi32, #tpu.memory_space<vmem>> -> memref<32xi32, #tpu.memory_space<vmem>>
    %dma_start3A_52 = arith.constant 0 : i32
    %dma_start3A_53 = arith.constant 0 : i32
    %dma_start3A_54 = tpu.memref_slice %arg2[%dma_start3A_52, %dma_start3A_53] : memref<7680x1024xf32, #tpu.memory_space<hbm>> -> memref<7680x1024xf32, #tpu.memory_space<hbm>>
    tpu.enqueue_indirect_dma source(%dma_start3A_54 : memref<7680x1024xf32, #tpu.memory_space<hbm>>) target(%arg7 : memref<32x1024xf32, #tpu.memory_space<vmem>>) offsets(%dma_start3A_51 : memref<32xi32, #tpu.memory_space<vmem>>) semaphore(%arg10 : memref<!tpu.dma_semaphore, #tpu.memory_space<semaphore_mem>>)
    %dma_wait3A_55 = arith.constant 64 : i32
    %dma_wait3A_56 = tpu.memref_slice %arg5[%dma_wait3A_55] : memref<128xi32, #tpu.memory_space<vmem>> -> memref<32xi32, #tpu.memory_space<vmem>>
    %dma_wait3A_57 = arith.constant 0 : i32
    %dma_wait3A_58 = arith.constant 0 : i32
    %dma_wait3A_59 = tpu.memref_slice %arg2[%dma_wait3A_57, %dma_wait3A_58] : memref<7680x1024xf32, #tpu.memory_space<hbm>> -> memref<7680x1024xf32, #tpu.memory_space<hbm>>
    tpu.wait_indirect_dma semaphore(%arg9 : memref<!tpu.dma_semaphore, #tpu.memory_space<semaphore_mem>>) src(%dma_wait3A_59 : memref<7680x1024xf32, #tpu.memory_space<hbm>>) dst(%arg6 : memref<32x1024xf32, #tpu.memory_space<vmem>>)
    %add3A_60 = arith.constant 64 : i32
    %add3A_61 = arith.addi %mul3A_2, %add3A_60 : i32
    %dma_start3A_62 = arith.constant 0 : i32
    %dma_start3A_63 = tpu.memref_slice %arg4[%add3A_61, %dma_start3A_62] : memref<4096x1024xf32, #tpu.memory_space<hbm>> -> memref<32x1024xf32, #tpu.memory_space<hbm>>
    %dma_start3A_64 = arith.constant 0 : i32
    %dma_start3A_65 = tpu.memref_slice %arg4[%add3A_61, %dma_start3A_64] : memref<4096x1024xf32, #tpu.memory_space<hbm>> -> memref<32x1024xf32, #tpu.memory_space<hbm>>
    tpu.enqueue_dma source(%arg6 : memref<32x1024xf32, #tpu.memory_space<vmem>>) target(%dma_start3A_65 : memref<32x1024xf32, #tpu.memory_space<hbm>>) target_semaphore(%arg11 : memref<!tpu.dma_semaphore, #tpu.memory_space<semaphore_mem>>)
    %dma_wait3A_66 = arith.constant 0 : i32
    %dma_wait3A_67 = tpu.memref_slice %arg4[%add3A_61, %dma_wait3A_66] : memref<4096x1024xf32, #tpu.memory_space<hbm>> -> memref<32x1024xf32, #tpu.memory_space<hbm>>
    %dma_wait3A_68 = arith.constant 0 : i32
    %dma_wait3A_69 = tpu.memref_slice %arg4[%add3A_61, %dma_wait3A_68] : memref<4096x1024xf32, #tpu.memory_space<hbm>> -> memref<32x1024xf32, #tpu.memory_space<hbm>>
    tpu.wait_dma2 semaphore(%arg11 : memref<!tpu.dma_semaphore, #tpu.memory_space<semaphore_mem>>) src(%arg6 : memref<32x1024xf32, #tpu.memory_space<vmem>>) dst(%dma_wait3A_69 : memref<32x1024xf32, #tpu.memory_space<hbm>>)
    %dma_wait3A_70 = arith.constant 96 : i32
    %dma_wait3A_71 = tpu.memref_slice %arg5[%dma_wait3A_70] : memref<128xi32, #tpu.memory_space<vmem>> -> memref<32xi32, #tpu.memory_space<vmem>>
    %dma_wait3A_72 = arith.constant 0 : i32
    %dma_wait3A_73 = arith.constant 0 : i32
    %dma_wait3A_74 = tpu.memref_slice %arg2[%dma_wait3A_72, %dma_wait3A_73] : memref<7680x1024xf32, #tpu.memory_space<hbm>> -> memref<7680x1024xf32, #tpu.memory_space<hbm>>
    tpu.wait_indirect_dma semaphore(%arg10 : memref<!tpu.dma_semaphore, #tpu.memory_space<semaphore_mem>>) src(%dma_wait3A_74 : memref<7680x1024xf32, #tpu.memory_space<hbm>>) dst(%arg7 : memref<32x1024xf32, #tpu.memory_space<vmem>>)
    %add3A_75 = arith.constant 96 : i32
    %add3A_76 = arith.addi %mul3A_2, %add3A_75 : i32
    %dma_start3A_77 = arith.constant 0 : i32
    %dma_start3A_78 = tpu.memref_slice %arg4[%add3A_76, %dma_start3A_77] : memref<4096x1024xf32, #tpu.memory_space<hbm>> -> memref<32x1024xf32, #tpu.memory_space<hbm>>
    %dma_start3A_79 = arith.constant 0 : i32
    %dma_start3A_80 = tpu.memref_slice %arg4[%add3A_76, %dma_start3A_79] : memref<4096x1024xf32, #tpu.memory_space<hbm>> -> memref<32x1024xf32, #tpu.memory_space<hbm>>
    tpu.enqueue_dma source(%arg7 : memref<32x1024xf32, #tpu.memory_space<vmem>>) target(%dma_start3A_80 : memref<32x1024xf32, #tpu.memory_space<hbm>>) target_semaphore(%arg12 : memref<!tpu.dma_semaphore, #tpu.memory_space<semaphore_mem>>)
    %dma_wait3A_81 = arith.constant 0 : i32
    %dma_wait3A_82 = tpu.memref_slice %arg4[%add3A_76, %dma_wait3A_81] : memref<4096x1024xf32, #tpu.memory_space<hbm>> -> memref<32x1024xf32, #tpu.memory_space<hbm>>
    %dma_wait3A_83 = arith.constant 0 : i32
    %dma_wait3A_84 = tpu.memref_slice %arg4[%add3A_76, %dma_wait3A_83] : memref<4096x1024xf32, #tpu.memory_space<hbm>> -> memref<32x1024xf32, #tpu.memory_space<hbm>>
    tpu.wait_dma2 semaphore(%arg12 : memref<!tpu.dma_semaphore, #tpu.memory_space<semaphore_mem>>) src(%arg7 : memref<32x1024xf32, #tpu.memory_space<vmem>>) dst(%dma_wait3A_84 : memref<32x1024xf32, #tpu.memory_space<hbm>>)
    return
  }
}

module attributes {stable_mosaic.version = 14 : i64} {
  func.func @_gmm_body(%arg0: i32, %arg1: memref<1x15xi32, #tpu.memory_space<smem>>, %arg2: memref<1x1xi32, #tpu.memory_space<smem>>, %arg3: memref<512x1024xf32, #tpu.memory_space<vmem>>, %arg4: memref<1x1024x1024xf32, #tpu.memory_space<vmem>>, %arg5: memref<1x1x1024xf32, #tpu.memory_space<vmem>>, %arg6: memref<512x128xf32, #tpu.memory_space<vmem>>, %arg7: memref<512x1024xf32, #tpu.memory_space<vmem>>) attributes {dimension_semantics = [#tpu.dimension_semantics<arbitrary>], iteration_bounds = array<i64: 15>, scalar_prefetch = 2 : i64, scratch_operands = 0 : i64, tpu.core_type = #tpu.core_type<tc>, window_params = [{transform_indices = @transform_0, window_bounds = array<i64: 512, 1024>}, {transform_indices = @transform_1, window_bounds = array<i64: 1, 1024, 1024>}, {transform_indices = @transform_2, window_bounds = array<i64: 1, 1, 1024>}, {transform_indices = @transform_3, window_bounds = array<i64: 512, 128>}, {transform_indices = @transform_4, window_bounds = array<i64: 512, 1024>}]} {
    %get3A = arith.constant 0 : index
    %get3A_0 = arith.constant 0 : index
    %get3A_1 = memref.load %arg2[%get3A, %get3A_0] : memref<1x1xi32, #tpu.memory_space<smem>>
    %lt3A = arith.cmpi slt, %arg0, %get3A_1 : i32
    %convert_element_type3A = arith.extui %lt3A : i1 to i32
    %cond3A = arith.constant 0 : i32
    %cond3A_2 = arith.cmpi ne, %convert_element_type3A, %cond3A : i32
    scf.if %cond3A_2 {
      %get3A_3 = arith.constant 0 : index
      %get3A_4 = arith.constant 0 : index
      %get3A_5 = vector.load %arg3[%get3A_3, %get3A_4] : memref<512x1024xf32, #tpu.memory_space<vmem>>, vector<512x1024xf32>
      %get3A_6 = arith.constant 0 : index
      %get3A_7 = arith.constant 0 : index
      %get3A_8 = arith.constant 0 : index
      %get3A_9 = vector.load %arg4[%get3A_6, %get3A_7, %get3A_8] : memref<1x1024x1024xf32, #tpu.memory_space<vmem>>, vector<1x1024x1024xf32>
      %get3A_10 = vector.shape_cast %get3A_9 : vector<1x1024x1024xf32> to vector<1024x1024xf32>
      %dot_general3A = arith.constant dense<0.000000e+00> : vector<512x1024xf32>
      %dot_general3A_11 = tpu.matmul %get3A_5, %get3A_10, %dot_general3A {dimension_numbers = #tpu.dot_dimension_numbers<[1], [1], [0], [0], [0, 0, 1, 0], [], []>, transpose_lhs_hint = false} : vector<512x1024xf32>, vector<1024x1024xf32>, vector<512x1024xf32> -> vector<512x1024xf32>
      %get3A_12 = arith.constant 0 : index
      %get3A_13 = arith.constant 0 : index
      %get3A_14 = arith.constant 0 : index
      %get3A_15 = vector.load %arg5[%get3A_12, %get3A_13, %get3A_14] : memref<1x1x1024xf32, #tpu.memory_space<vmem>>, vector<1x1x1024xf32>
      %get3A_16 = vector.shape_cast %get3A_15 : vector<1x1x1024xf32> to vector<1x1024xf32>
      %add3A = vector.broadcast %get3A_16 : vector<1x1024xf32> to vector<512x1024xf32>
      %add3A_17 = arith.addf %dot_general3A_11, %add3A : vector<512x1024xf32>
      %get3A_18 = arith.constant 0 : index
      %get3A_19 = arith.constant 0 : index
      %get3A_20 = vector.load %arg6[%get3A_18, %get3A_19] : memref<512x128xf32, #tpu.memory_space<vmem>>, vector<512x1xf32>
      %mul3A = vector.broadcast %get3A_20 : vector<512x1xf32> to vector<512x1024xf32>
      %mul3A_21 = arith.mulf %add3A_17, %mul3A : vector<512x1024xf32>
      %swap3A = arith.constant 0 : index
      %swap3A_22 = arith.constant 0 : index
      %swap3A_23 = vector.load %arg7[%swap3A, %swap3A_22] : memref<512x1024xf32, #tpu.memory_space<vmem>>, vector<512x1024xf32>
      tpu.vector_store %arg7[%swap3A, %swap3A_22], %mul3A_21 {strides = array<i32>} : memref<512x1024xf32, #tpu.memory_space<vmem>>, vector<512x1024xf32>,
    } else {
    }
    return
  }
  func.func @transform_0(%arg0: i32, %arg1: memref<1x15xi32, #tpu.memory_space<smem>>, %arg2: memref<1x1xi32, #tpu.memory_space<smem>>) -> (i32, i32) {
    %get3A = arith.constant 0 : index
    %get3A_0 = arith.constant 0 : index
    %get3A_1 = memref.load %arg2[%get3A, %get3A_0] : memref<1x1xi32, #tpu.memory_space<smem>>
    %sub3A = arith.constant 1 : i32
    %sub3A_2 = arith.subi %get3A_1, %sub3A : i32
    %min3A = arith.minsi %arg0, %sub3A_2 : i32
    %c0_i32 = arith.constant 0 : i32
    %c0_i32_3 = arith.constant 0 : i32
    return %min3A, %c0_i32 : i32, i32
  }
  func.func @transform_1(%arg0: i32, %arg1: memref<1x15xi32, #tpu.memory_space<smem>>, %arg2: memref<1x1xi32, #tpu.memory_space<smem>>) -> (i32, i32, i32) {
    %get3A = arith.constant 0 : index
    %get3A_0 = arith.index_cast %arg0 : i32 to index
    %get3A_1 = memref.load %arg1[%get3A, %get3A_0] : memref<1x15xi32, #tpu.memory_space<smem>>
    %c0_i32 = arith.constant 0 : i32
    %c0_i32_2 = arith.constant 0 : i32
    %c0_i32_3 = arith.constant 0 : i32
    return %get3A_1, %c0_i32, %c0_i32_2 : i32, i32, i32
  }
  func.func @transform_2(%arg0: i32, %arg1: memref<1x15xi32, #tpu.memory_space<smem>>, %arg2: memref<1x1xi32, #tpu.memory_space<smem>>) -> (i32, i32, i32) {
    %get3A = arith.constant 0 : index
    %get3A_0 = arith.index_cast %arg0 : i32 to index
    %get3A_1 = memref.load %arg1[%get3A, %get3A_0] : memref<1x15xi32, #tpu.memory_space<smem>>
    %c0_i32 = arith.constant 0 : i32
    %c0_i32_2 = arith.constant 0 : i32
    %c0_i32_3 = arith.constant 0 : i32
    return %get3A_1, %c0_i32, %c0_i32_2 : i32, i32, i32
  }
  func.func @transform_3(%arg0: i32, %arg1: memref<1x15xi32, #tpu.memory_space<smem>>, %arg2: memref<1x1xi32, #tpu.memory_space<smem>>) -> (i32, i32) {
    %get3A = arith.constant 0 : index
    %get3A_0 = arith.constant 0 : index
    %get3A_1 = memref.load %arg2[%get3A, %get3A_0] : memref<1x1xi32, #tpu.memory_space<smem>>
    %sub3A = arith.constant 1 : i32
    %sub3A_2 = arith.subi %get3A_1, %sub3A : i32
    %min3A = arith.minsi %arg0, %sub3A_2 : i32
    %c0_i32 = arith.constant 0 : i32
    %c0_i32_3 = arith.constant 0 : i32
    return %min3A, %c0_i32 : i32, i32
  }
  func.func @transform_4(%arg0: i32, %arg1: memref<1x15xi32, #tpu.memory_space<smem>>, %arg2: memref<1x1xi32, #tpu.memory_space<smem>>) -> (i32, i32) {
    %get3A = arith.constant 0 : index
    %get3A_0 = arith.constant 0 : index
    %get3A_1 = memref.load %arg2[%get3A, %get3A_0] : memref<1x1xi32, #tpu.memory_space<smem>>
    %sub3A = arith.constant 1 : i32
    %sub3A_2 = arith.subi %get3A_1, %sub3A : i32
    %min3A = arith.minsi %arg0, %sub3A_2 : i32
    %c0_i32 = arith.constant 0 : i32
    %c0_i32_3 = arith.constant 0 : i32
    return %min3A, %c0_i32 : i32, i32
  }
}

module attributes {stable_mosaic.version = 14 : i64} {
  func.func @_router_body(%arg0: memref<8x4096xf32, #tpu.memory_space<vmem>>, %arg1: memref<1x4096xi32, #tpu.memory_space<vmem>>, %arg2: memref<4096x128xf32, #tpu.memory_space<vmem>>, %arg3: memref<1x15xi32, #tpu.memory_space<vmem>>, %arg4: memref<1x1xi32, #tpu.memory_space<vmem>>, %arg5: memref<1x1xf32, #tpu.memory_space<vmem>>) attributes {dimension_semantics = [], scalar_prefetch = 0 : i64, scratch_operands = 0 : i64, tpu.core_type = #tpu.core_type<tc>} {
    %get3A = arith.constant 0 : index
    %get3A_0 = arith.constant 0 : index
    %get3A_1 = vector.load %arg0[%get3A, %get3A_0] : memref<8x4096xf32, #tpu.memory_space<vmem>>, vector<8x4096xf32>
    %iota3A = tpu.iota {dimensions = array<i32: 0>} : vector<8x4096xi32>
    %reduce_max3A = arith.constant dense<0xFF800000> : vector<4096xf32>
    %reduce_max3A_2 = vector.multi_reduction <maximumf>, %get3A_1, %reduce_max3A [0] : vector<8x4096xf32> to vector<4096xf32>
    %broadcast_in_dim3A = vector.shape_cast %reduce_max3A_2 : vector<4096xf32> to vector<1x4096xf32>
    %sub3A = vector.broadcast %broadcast_in_dim3A : vector<1x4096xf32> to vector<8x4096xf32>
    %sub3A_3 = arith.subf %get3A_1, %sub3A : vector<8x4096xf32>
    %exp3A = math.exp %sub3A_3 : vector<8x4096xf32>
    %reduce_sum3A = arith.constant dense<0.000000e+00> : vector<4096xf32>
    %reduce_sum3A_4 = vector.multi_reduction <add>, %exp3A, %reduce_sum3A [0] : vector<8x4096xf32> to vector<4096xf32>
    %broadcast_in_dim3A_5 = vector.shape_cast %reduce_sum3A_4 : vector<4096xf32> to vector<1x4096xf32>
    %div3A = vector.broadcast %broadcast_in_dim3A_5 : vector<1x4096xf32> to vector<8x4096xf32>
    %div3A_6 = arith.divf %exp3A, %div3A : vector<8x4096xf32>
    %reduce_max3A_7 = arith.constant dense<0xFF800000> : vector<4096xf32>
    %reduce_max3A_8 = vector.multi_reduction <maximumf>, %div3A_6, %reduce_max3A_7 [0] : vector<8x4096xf32> to vector<4096xf32>
    %broadcast_in_dim3A_9 = vector.shape_cast %reduce_max3A_8 : vector<4096xf32> to vector<1x4096xf32>
    %eq3A = vector.broadcast %broadcast_in_dim3A_9 : vector<1x4096xf32> to vector<8x4096xf32>
    %eq3A_10 = arith.cmpf oeq, %div3A_6, %eq3A : vector<8x4096xf32>
    %jit3A = arith.constant 999 : i32
    %broadcast_in_dim3A_11 = vector.broadcast %jit3A : i32 to vector<8x4096xi32>
    %select_n3A = arith.select %eq3A_10, %iota3A, %broadcast_in_dim3A_11 : vector<8x4096xi1>, vector<8x4096xi32>
    %reduce_min3A = arith.constant dense<2147483647> : vector<4096xi32>
    %reduce_min3A_12 = vector.multi_reduction <minsi>, %select_n3A, %reduce_min3A [0] : vector<8x4096xi32> to vector<4096xi32>
    %broadcast_in_dim3A_13 = vector.shape_cast %reduce_min3A_12 : vector<4096xi32> to vector<1x4096xi32>
    %eq3A_14 = vector.broadcast %broadcast_in_dim3A_13 : vector<1x4096xi32> to vector<8x4096xi32>
    %eq3A_15 = arith.cmpi eq, %iota3A, %eq3A_14 : vector<8x4096xi32>
    %convert_element_type3A = arith.extui %eq3A_15 : vector<8x4096xi1> to vector<8x4096xi32>
    %convert_element_type3A_16 = arith.sitofp %convert_element_type3A : vector<8x4096xi32> to vector<8x4096xf32>
    %iota3A_17 = tpu.iota {dimensions = array<i32: 0>} : vector<128x128xi32>
    %iota3A_18 = tpu.iota {dimensions = array<i32: 1>} : vector<128x128xi32>
    %le3A = arith.cmpi sle, %iota3A_17, %iota3A_18 : vector<128x128xi32>
    %convert_element_type3A_19 = arith.extui %le3A : vector<128x128xi1> to vector<128x128xi32>
    %convert_element_type3A_20 = arith.sitofp %convert_element_type3A_19 : vector<128x128xi32> to vector<128x128xf32>
    %slice3A = vector.extract_strided_slice %convert_element_type3A_16 {offsets = [0, 0], sizes = [8, 128], strides = [1, 1]} : vector<8x4096xf32> to vector<8x128xf32>
    %dot_general3A = arith.constant dense<0.000000e+00> : vector<8x128xf32>
    %dot_general3A_21 = tpu.matmul %slice3A, %convert_element_type3A_20, %dot_general3A {dimension_numbers = #tpu.dot_dimension_numbers<[1], [0], [0], [1], [0, 0, 1, 1], [], []>, precision = #tpu.contract_precision<fp32>, transpose_lhs_hint = false} : vector<8x128xf32>, vector<128x128xf32>, vector<8x128xf32> -> vector<8x128xf32>
    %slice3A_22 = vector.extract_strided_slice %convert_element_type3A_16 {offsets = [0, 128], sizes = [8, 128], strides = [1, 1]} : vector<8x4096xf32> to vector<8x128xf32>
    %dot_general3A_23 = arith.constant dense<0.000000e+00> : vector<8x128xf32>
    %dot_general3A_24 = tpu.matmul %slice3A_22, %convert_element_type3A_20, %dot_general3A_23 {dimension_numbers = #tpu.dot_dimension_numbers<[1], [0], [0], [1], [0, 0, 1, 1], [], []>, precision = #tpu.contract_precision<fp32>, transpose_lhs_hint = false} : vector<8x128xf32>, vector<128x128xf32>, vector<8x128xf32> -> vector<8x128xf32>
    %slice3A_25 = vector.extract_strided_slice %convert_element_type3A_16 {offsets = [0, 256], sizes = [8, 128], strides = [1, 1]} : vector<8x4096xf32> to vector<8x128xf32>
    %dot_general3A_26 = arith.constant dense<0.000000e+00> : vector<8x128xf32>
    %dot_general3A_27 = tpu.matmul %slice3A_25, %convert_element_type3A_20, %dot_general3A_26 {dimension_numbers = #tpu.dot_dimension_numbers<[1], [0], [0], [1], [0, 0, 1, 1], [], []>, precision = #tpu.contract_precision<fp32>, transpose_lhs_hint = false} : vector<8x128xf32>, vector<128x128xf32>, vector<8x128xf32> -> vector<8x128xf32>
    %slice3A_28 = vector.extract_strided_slice %convert_element_type3A_16 {offsets = [0, 384], sizes = [8, 128], strides = [1, 1]} : vector<8x4096xf32> to vector<8x128xf32>
    %dot_general3A_29 = arith.constant dense<0.000000e+00> : vector<8x128xf32>
    %dot_general3A_30 = tpu.matmul %slice3A_28, %convert_element_type3A_20, %dot_general3A_29 {dimension_numbers = #tpu.dot_dimension_numbers<[1], [0], [0], [1], [0, 0, 1, 1], [], []>, precision = #tpu.contract_precision<fp32>, transpose_lhs_hint = false} : vector<8x128xf32>, vector<128x128xf32>, vector<8x128xf32> -> vector<8x128xf32>
    %slice3A_31 = vector.extract_strided_slice %convert_element_type3A_16 {offsets = [0, 512], sizes = [8, 128], strides = [1, 1]} : vector<8x4096xf32> to vector<8x128xf32>
    %dot_general3A_32 = arith.constant dense<0.000000e+00> : vector<8x128xf32>
    %dot_general3A_33 = tpu.matmul %slice3A_31, %convert_element_type3A_20, %dot_general3A_32 {dimension_numbers = #tpu.dot_dimension_numbers<[1], [0], [0], [1], [0, 0, 1, 1], [], []>, precision = #tpu.contract_precision<fp32>, transpose_lhs_hint = false} : vector<8x128xf32>, vector<128x128xf32>, vector<8x128xf32> -> vector<8x128xf32>
    %slice3A_34 = vector.extract_strided_slice %convert_element_type3A_16 {offsets = [0, 640], sizes = [8, 128], strides = [1, 1]} : vector<8x4096xf32> to vector<8x128xf32>
    %dot_general3A_35 = arith.constant dense<0.000000e+00> : vector<8x128xf32>
    %dot_general3A_36 = tpu.matmul %slice3A_34, %convert_element_type3A_20, %dot_general3A_35 {dimension_numbers = #tpu.dot_dimension_numbers<[1], [0], [0], [1], [0, 0, 1, 1], [], []>, precision = #tpu.contract_precision<fp32>, transpose_lhs_hint = false} : vector<8x128xf32>, vector<128x128xf32>, vector<8x128xf32> -> vector<8x128xf32>
    %slice3A_37 = vector.extract_strided_slice %convert_element_type3A_16 {offsets = [0, 768], sizes = [8, 128], strides = [1, 1]} : vector<8x4096xf32> to vector<8x128xf32>
    %dot_general3A_38 = arith.constant dense<0.000000e+00> : vector<8x128xf32>
    %dot_general3A_39 = tpu.matmul %slice3A_37, %convert_element_type3A_20, %dot_general3A_38 {dimension_numbers = #tpu.dot_dimension_numbers<[1], [0], [0], [1], [0, 0, 1, 1], [], []>, precision = #tpu.contract_precision<fp32>, transpose_lhs_hint = false} : vector<8x128xf32>, vector<128x128xf32>, vector<8x128xf32> -> vector<8x128xf32>
    %slice3A_40 = vector.extract_strided_slice %convert_element_type3A_16 {offsets = [0, 896], sizes = [8, 128], strides = [1, 1]} : vector<8x4096xf32> to vector<8x128xf32>
    %dot_general3A_41 = arith.constant dense<0.000000e+00> : vector<8x128xf32>
    %dot_general3A_42 = tpu.matmul %slice3A_40, %convert_element_type3A_20, %dot_general3A_41 {dimension_numbers = #tpu.dot_dimension_numbers<[1], [0], [0], [1], [0, 0, 1, 1], [], []>, precision = #tpu.contract_precision<fp32>, transpose_lhs_hint = false} : vector<8x128xf32>, vector<128x128xf32>, vector<8x128xf32> -> vector<8x128xf32>
    %slice3A_43 = vector.extract_strided_slice %convert_element_type3A_16 {offsets = [0, 1024], sizes = [8, 128], strides = [1, 1]} : vector<8x4096xf32> to vector<8x128xf32>
    %dot_general3A_44 = arith.constant dense<0.000000e+00> : vector<8x128xf32>
    %dot_general3A_45 = tpu.matmul %slice3A_43, %convert_element_type3A_20, %dot_general3A_44 {dimension_numbers = #tpu.dot_dimension_numbers<[1], [0], [0], [1], [0, 0, 1, 1], [], []>, precision = #tpu.contract_precision<fp32>, transpose_lhs_hint = false} : vector<8x128xf32>, vector<128x128xf32>, vector<8x128xf32> -> vector<8x128xf32>
    %slice3A_46 = vector.extract_strided_slice %convert_element_type3A_16 {offsets = [0, 1152], sizes = [8, 128], strides = [1, 1]} : vector<8x4096xf32> to vector<8x128xf32>
    %dot_general3A_47 = arith.constant dense<0.000000e+00> : vector<8x128xf32>
    %dot_general3A_48 = tpu.matmul %slice3A_46, %convert_element_type3A_20, %dot_general3A_47 {dimension_numbers = #tpu.dot_dimension_numbers<[1], [0], [0], [1], [0, 0, 1, 1], [], []>, precision = #tpu.contract_precision<fp32>, transpose_lhs_hint = false} : vector<8x128xf32>, vector<128x128xf32>, vector<8x128xf32> -> vector<8x128xf32>
    %slice3A_49 = vector.extract_strided_slice %convert_element_type3A_16 {offsets = [0, 1280], sizes = [8, 128], strides = [1, 1]} : vector<8x4096xf32> to vector<8x128xf32>
    %dot_general3A_50 = arith.constant dense<0.000000e+00> : vector<8x128xf32>
    %dot_general3A_51 = tpu.matmul %slice3A_49, %convert_element_type3A_20, %dot_general3A_50 {dimension_numbers = #tpu.dot_dimension_numbers<[1], [0], [0], [1], [0, 0, 1, 1], [], []>, precision = #tpu.contract_precision<fp32>, transpose_lhs_hint = false} : vector<8x128xf32>, vector<128x128xf32>, vector<8x128xf32> -> vector<8x128xf32>
    %slice3A_52 = vector.extract_strided_slice %convert_element_type3A_16 {offsets = [0, 1408], sizes = [8, 128], strides = [1, 1]} : vector<8x4096xf32> to vector<8x128xf32>
    %dot_general3A_53 = arith.constant dense<0.000000e+00> : vector<8x128xf32>
    %dot_general3A_54 = tpu.matmul %slice3A_52, %convert_element_type3A_20, %dot_general3A_53 {dimension_numbers = #tpu.dot_dimension_numbers<[1], [0], [0], [1], [0, 0, 1, 1], [], []>, precision = #tpu.contract_precision<fp32>, transpose_lhs_hint = false} : vector<8x128xf32>, vector<128x128xf32>, vector<8x128xf32> -> vector<8x128xf32>
    %slice3A_55 = vector.extract_strided_slice %convert_element_type3A_16 {offsets = [0, 1536], sizes = [8, 128], strides = [1, 1]} : vector<8x4096xf32> to vector<8x128xf32>
    %dot_general3A_56 = arith.constant dense<0.000000e+00> : vector<8x128xf32>
    %dot_general3A_57 = tpu.matmul %slice3A_55, %convert_element_type3A_20, %dot_general3A_56 {dimension_numbers = #tpu.dot_dimension_numbers<[1], [0], [0], [1], [0, 0, 1, 1], [], []>, precision = #tpu.contract_precision<fp32>, transpose_lhs_hint = false} : vector<8x128xf32>, vector<128x128xf32>, vector<8x128xf32> -> vector<8x128xf32>
    %slice3A_58 = vector.extract_strided_slice %convert_element_type3A_16 {offsets = [0, 1664], sizes = [8, 128], strides = [1, 1]} : vector<8x4096xf32> to vector<8x128xf32>
    %dot_general3A_59 = arith.constant dense<0.000000e+00> : vector<8x128xf32>
    %dot_general3A_60 = tpu.matmul %slice3A_58, %convert_element_type3A_20, %dot_general3A_59 {dimension_numbers = #tpu.dot_dimension_numbers<[1], [0], [0], [1], [0, 0, 1, 1], [], []>, precision = #tpu.contract_precision<fp32>, transpose_lhs_hint = false} : vector<8x128xf32>, vector<128x128xf32>, vector<8x128xf32> -> vector<8x128xf32>
    %slice3A_61 = vector.extract_strided_slice %convert_element_type3A_16 {offsets = [0, 1792], sizes = [8, 128], strides = [1, 1]} : vector<8x4096xf32> to vector<8x128xf32>
    %dot_general3A_62 = arith.constant dense<0.000000e+00> : vector<8x128xf32>
    %dot_general3A_63 = tpu.matmul %slice3A_61, %convert_element_type3A_20, %dot_general3A_62 {dimension_numbers = #tpu.dot_dimension_numbers<[1], [0], [0], [1], [0, 0, 1, 1], [], []>, precision = #tpu.contract_precision<fp32>, transpose_lhs_hint = false} : vector<8x128xf32>, vector<128x128xf32>, vector<8x128xf32> -> vector<8x128xf32>
    %slice3A_64 = vector.extract_strided_slice %convert_element_type3A_16 {offsets = [0, 1920], sizes = [8, 128], strides = [1, 1]} : vector<8x4096xf32> to vector<8x128xf32>
    %dot_general3A_65 = arith.constant dense<0.000000e+00> : vector<8x128xf32>
    %dot_general3A_66 = tpu.matmul %slice3A_64, %convert_element_type3A_20, %dot_general3A_65 {dimension_numbers = #tpu.dot_dimension_numbers<[1], [0], [0], [1], [0, 0, 1, 1], [], []>, precision = #tpu.contract_precision<fp32>, transpose_lhs_hint = false} : vector<8x128xf32>, vector<128x128xf32>, vector<8x128xf32> -> vector<8x128xf32>
    %slice3A_67 = vector.extract_strided_slice %convert_element_type3A_16 {offsets = [0, 2048], sizes = [8, 128], strides = [1, 1]} : vector<8x4096xf32> to vector<8x128xf32>
    %dot_general3A_68 = arith.constant dense<0.000000e+00> : vector<8x128xf32>
    %dot_general3A_69 = tpu.matmul %slice3A_67, %convert_element_type3A_20, %dot_general3A_68 {dimension_numbers = #tpu.dot_dimension_numbers<[1], [0], [0], [1], [0, 0, 1, 1], [], []>, precision = #tpu.contract_precision<fp32>, transpose_lhs_hint = false} : vector<8x128xf32>, vector<128x128xf32>, vector<8x128xf32> -> vector<8x128xf32>
    %slice3A_70 = vector.extract_strided_slice %convert_element_type3A_16 {offsets = [0, 2176], sizes = [8, 128], strides = [1, 1]} : vector<8x4096xf32> to vector<8x128xf32>
    %dot_general3A_71 = arith.constant dense<0.000000e+00> : vector<8x128xf32>
    %dot_general3A_72 = tpu.matmul %slice3A_70, %convert_element_type3A_20, %dot_general3A_71 {dimension_numbers = #tpu.dot_dimension_numbers<[1], [0], [0], [1], [0, 0, 1, 1], [], []>, precision = #tpu.contract_precision<fp32>, transpose_lhs_hint = false} : vector<8x128xf32>, vector<128x128xf32>, vector<8x128xf32> -> vector<8x128xf32>
    %slice3A_73 = vector.extract_strided_slice %convert_element_type3A_16 {offsets = [0, 2304], sizes = [8, 128], strides = [1, 1]} : vector<8x4096xf32> to vector<8x128xf32>
    %dot_general3A_74 = arith.constant dense<0.000000e+00> : vector<8x128xf32>
    %dot_general3A_75 = tpu.matmul %slice3A_73, %convert_element_type3A_20, %dot_general3A_74 {dimension_numbers = #tpu.dot_dimension_numbers<[1], [0], [0], [1], [0, 0, 1, 1], [], []>, precision = #tpu.contract_precision<fp32>, transpose_lhs_hint = false} : vector<8x128xf32>, vector<128x128xf32>, vector<8x128xf32> -> vector<8x128xf32>
    %slice3A_76 = vector.extract_strided_slice %convert_element_type3A_16 {offsets = [0, 2432], sizes = [8, 128], strides = [1, 1]} : vector<8x4096xf32> to vector<8x128xf32>
    %dot_general3A_77 = arith.constant dense<0.000000e+00> : vector<8x128xf32>
    %dot_general3A_78 = tpu.matmul %slice3A_76, %convert_element_type3A_20, %dot_general3A_77 {dimension_numbers = #tpu.dot_dimension_numbers<[1], [0], [0], [1], [0, 0, 1, 1], [], []>, precision = #tpu.contract_precision<fp32>, transpose_lhs_hint = false} : vector<8x128xf32>, vector<128x128xf32>, vector<8x128xf32> -> vector<8x128xf32>
    %slice3A_79 = vector.extract_strided_slice %convert_element_type3A_16 {offsets = [0, 2560], sizes = [8, 128], strides = [1, 1]} : vector<8x4096xf32> to vector<8x128xf32>
    %dot_general3A_80 = arith.constant dense<0.000000e+00> : vector<8x128xf32>
    %dot_general3A_81 = tpu.matmul %slice3A_79, %convert_element_type3A_20, %dot_general3A_80 {dimension_numbers = #tpu.dot_dimension_numbers<[1], [0], [0], [1], [0, 0, 1, 1], [], []>, precision = #tpu.contract_precision<fp32>, transpose_lhs_hint = false} : vector<8x128xf32>, vector<128x128xf32>, vector<8x128xf32> -> vector<8x128xf32>
    %slice3A_82 = vector.extract_strided_slice %convert_element_type3A_16 {offsets = [0, 2688], sizes = [8, 128], strides = [1, 1]} : vector<8x4096xf32> to vector<8x128xf32>
    %dot_general3A_83 = arith.constant dense<0.000000e+00> : vector<8x128xf32>
    %dot_general3A_84 = tpu.matmul %slice3A_82, %convert_element_type3A_20, %dot_general3A_83 {dimension_numbers = #tpu.dot_dimension_numbers<[1], [0], [0], [1], [0, 0, 1, 1], [], []>, precision = #tpu.contract_precision<fp32>, transpose_lhs_hint = false} : vector<8x128xf32>, vector<128x128xf32>, vector<8x128xf32> -> vector<8x128xf32>
    %slice3A_85 = vector.extract_strided_slice %convert_element_type3A_16 {offsets = [0, 2816], sizes = [8, 128], strides = [1, 1]} : vector<8x4096xf32> to vector<8x128xf32>
    %dot_general3A_86 = arith.constant dense<0.000000e+00> : vector<8x128xf32>
    %dot_general3A_87 = tpu.matmul %slice3A_85, %convert_element_type3A_20, %dot_general3A_86 {dimension_numbers = #tpu.dot_dimension_numbers<[1], [0], [0], [1], [0, 0, 1, 1], [], []>, precision = #tpu.contract_precision<fp32>, transpose_lhs_hint = false} : vector<8x128xf32>, vector<128x128xf32>, vector<8x128xf32> -> vector<8x128xf32>
    %slice3A_88 = vector.extract_strided_slice %convert_element_type3A_16 {offsets = [0, 2944], sizes = [8, 128], strides = [1, 1]} : vector<8x4096xf32> to vector<8x128xf32>
    %dot_general3A_89 = arith.constant dense<0.000000e+00> : vector<8x128xf32>
    %dot_general3A_90 = tpu.matmul %slice3A_88, %convert_element_type3A_20, %dot_general3A_89 {dimension_numbers = #tpu.dot_dimension_numbers<[1], [0], [0], [1], [0, 0, 1, 1], [], []>, precision = #tpu.contract_precision<fp32>, transpose_lhs_hint = false} : vector<8x128xf32>, vector<128x128xf32>, vector<8x128xf32> -> vector<8x128xf32>
    %slice3A_91 = vector.extract_strided_slice %convert_element_type3A_16 {offsets = [0, 3072], sizes = [8, 128], strides = [1, 1]} : vector<8x4096xf32> to vector<8x128xf32>
    %dot_general3A_92 = arith.constant dense<0.000000e+00> : vector<8x128xf32>
    %dot_general3A_93 = tpu.matmul %slice3A_91, %convert_element_type3A_20, %dot_general3A_92 {dimension_numbers = #tpu.dot_dimension_numbers<[1], [0], [0], [1], [0, 0, 1, 1], [], []>, precision = #tpu.contract_precision<fp32>, transpose_lhs_hint = false} : vector<8x128xf32>, vector<128x128xf32>, vector<8x128xf32> -> vector<8x128xf32>
    %slice3A_94 = vector.extract_strided_slice %convert_element_type3A_16 {offsets = [0, 3200], sizes = [8, 128], strides = [1, 1]} : vector<8x4096xf32> to vector<8x128xf32>
    %dot_general3A_95 = arith.constant dense<0.000000e+00> : vector<8x128xf32>
    %dot_general3A_96 = tpu.matmul %slice3A_94, %convert_element_type3A_20, %dot_general3A_95 {dimension_numbers = #tpu.dot_dimension_numbers<[1], [0], [0], [1], [0, 0, 1, 1], [], []>, precision = #tpu.contract_precision<fp32>, transpose_lhs_hint = false} : vector<8x128xf32>, vector<128x128xf32>, vector<8x128xf32> -> vector<8x128xf32>
    %slice3A_97 = vector.extract_strided_slice %convert_element_type3A_16 {offsets = [0, 3328], sizes = [8, 128], strides = [1, 1]} : vector<8x4096xf32> to vector<8x128xf32>
    %dot_general3A_98 = arith.constant dense<0.000000e+00> : vector<8x128xf32>
    %dot_general3A_99 = tpu.matmul %slice3A_97, %convert_element_type3A_20, %dot_general3A_98 {dimension_numbers = #tpu.dot_dimension_numbers<[1], [0], [0], [1], [0, 0, 1, 1], [], []>, precision = #tpu.contract_precision<fp32>, transpose_lhs_hint = false} : vector<8x128xf32>, vector<128x128xf32>, vector<8x128xf32> -> vector<8x128xf32>
    %slice3A_100 = vector.extract_strided_slice %convert_element_type3A_16 {offsets = [0, 3456], sizes = [8, 128], strides = [1, 1]} : vector<8x4096xf32> to vector<8x128xf32>
    %dot_general3A_101 = arith.constant dense<0.000000e+00> : vector<8x128xf32>
    %dot_general3A_102 = tpu.matmul %slice3A_100, %convert_element_type3A_20, %dot_general3A_101 {dimension_numbers = #tpu.dot_dimension_numbers<[1], [0], [0], [1], [0, 0, 1, 1], [], []>, precision = #tpu.contract_precision<fp32>, transpose_lhs_hint = false} : vector<8x128xf32>, vector<128x128xf32>, vector<8x128xf32> -> vector<8x128xf32>
    %slice3A_103 = vector.extract_strided_slice %convert_element_type3A_16 {offsets = [0, 3584], sizes = [8, 128], strides = [1, 1]} : vector<8x4096xf32> to vector<8x128xf32>
    %dot_general3A_104 = arith.constant dense<0.000000e+00> : vector<8x128xf32>
    %dot_general3A_105 = tpu.matmul %slice3A_103, %convert_element_type3A_20, %dot_general3A_104 {dimension_numbers = #tpu.dot_dimension_numbers<[1], [0], [0], [1], [0, 0, 1, 1], [], []>, precision = #tpu.contract_precision<fp32>, transpose_lhs_hint = false} : vector<8x128xf32>, vector<128x128xf32>, vector<8x128xf32> -> vector<8x128xf32>
    %slice3A_106 = vector.extract_strided_slice %convert_element_type3A_16 {offsets = [0, 3712], sizes = [8, 128], strides = [1, 1]} : vector<8x4096xf32> to vector<8x128xf32>
    %dot_general3A_107 = arith.constant dense<0.000000e+00> : vector<8x128xf32>
    %dot_general3A_108 = tpu.matmul %slice3A_106, %convert_element_type3A_20, %dot_general3A_107 {dimension_numbers = #tpu.dot_dimension_numbers<[1], [0], [0], [1], [0, 0, 1, 1], [], []>, precision = #tpu.contract_precision<fp32>, transpose_lhs_hint = false} : vector<8x128xf32>, vector<128x128xf32>, vector<8x128xf32> -> vector<8x128xf32>
    %slice3A_109 = vector.extract_strided_slice %convert_element_type3A_16 {offsets = [0, 3840], sizes = [8, 128], strides = [1, 1]} : vector<8x4096xf32> to vector<8x128xf32>
    %dot_general3A_110 = arith.constant dense<0.000000e+00> : vector<8x128xf32>
    %dot_general3A_111 = tpu.matmul %slice3A_109, %convert_element_type3A_20, %dot_general3A_110 {dimension_numbers = #tpu.dot_dimension_numbers<[1], [0], [0], [1], [0, 0, 1, 1], [], []>, precision = #tpu.contract_precision<fp32>, transpose_lhs_hint = false} : vector<8x128xf32>, vector<128x128xf32>, vector<8x128xf32> -> vector<8x128xf32>
    %slice3A_112 = vector.extract_strided_slice %convert_element_type3A_16 {offsets = [0, 3968], sizes = [8, 128], strides = [1, 1]} : vector<8x4096xf32> to vector<8x128xf32>
    %dot_general3A_113 = arith.constant dense<0.000000e+00> : vector<8x128xf32>
    %dot_general3A_114 = tpu.matmul %slice3A_112, %convert_element_type3A_20, %dot_general3A_113 {dimension_numbers = #tpu.dot_dimension_numbers<[1], [0], [0], [1], [0, 0, 1, 1], [], []>, precision = #tpu.contract_precision<fp32>, transpose_lhs_hint = false} : vector<8x128xf32>, vector<128x128xf32>, vector<8x128xf32> -> vector<8x128xf32>
    %concatenate3A = tpu.concatenate %dot_general3A_21, %dot_general3A_24, %dot_general3A_27, %dot_general3A_30, %dot_general3A_33, %dot_general3A_36, %dot_general3A_39, %dot_general3A_42, %dot_general3A_45, %dot_general3A_48, %dot_general3A_51, %dot_general3A_54, %dot_general3A_57, %dot_general3A_60, %dot_general3A_63, %dot_general3A_66, %dot_general3A_69, %dot_general3A_72, %dot_general3A_75, %dot_general3A_78, %dot_general3A_81, %dot_general3A_84, %dot_general3A_87, %dot_general3A_90, %dot_general3A_93, %dot_general3A_96, %dot_general3A_99, %dot_general3A_102, %dot_general3A_105, %dot_general3A_108, %dot_general3A_111, %dot_general3A_114 in 1 : vector<8x128xf32>, vector<8x128xf32>, vector<8x128xf32>, vector<8x128xf32>, vector<8x128xf32>, vector<8x128xf32>, vector<8x128xf32>, vector<8x128xf32>, vector<8x128xf32>, vector<8x128xf32>, vector<8x128xf32>, vector<8x128xf32>, vector<8x128xf32>, vector<8x128xf32>, vector<8x128xf32>, vector<8x128xf32>, vector<8x128xf32>, vector<8x128xf32>, vector<8x128xf32>, vector<8x128xf32>, vector<8x128xf32>, vector<8x128xf32>, vector<8x128xf32>, vector<8x128xf32>, vector<8x128xf32>, vector<8x128xf32>, vector<8x128xf32>, vector<8x128xf32>, vector<8x128xf32>, vector<8x128xf32>, vector<8x128xf32>, vector<8x128xf32> -> vector<8x4096xf32>
    %iota3A_115 = tpu.iota {dimensions = array<i32: 0>} : vector<4096x32xi32>
    %jit3A_116 = arith.constant 128 : i32
    %div3A_117 = vector.broadcast %jit3A_116 : i32 to vector<4096x32xi32>
    %div3A_118 = arith.divsi %iota3A_115, %div3A_117 : vector<4096x32xi32>
    %sign3A = arith.constant 0 : i32
    %sign3A_119 = vector.broadcast %sign3A : i32 to vector<4096x32xi32>
    %sign3A_120 = arith.cmpi sgt, %iota3A_115, %sign3A_119 : vector<4096x32xi32>
    %sign3A_121 = arith.extui %sign3A_120 : vector<4096x32xi1> to vector<4096x32xi32>
    %sign3A_122 = arith.constant 0 : i32
    %sign3A_123 = vector.broadcast %sign3A_122 : i32 to vector<4096x32xi32>
    %sign3A_124 = arith.cmpi slt, %iota3A_115, %sign3A_123 : vector<4096x32xi32>
    %sign3A_125 = arith.extui %sign3A_124 : vector<4096x32xi1> to vector<4096x32xi32>
    %sign3A_126 = arith.subi %sign3A_121, %sign3A_125 : vector<4096x32xi32>
    %sign3A_127 = arith.constant 0 : i32
    %sign3A_128 = arith.cmpi sgt, %jit3A_116, %sign3A_127 : i32
    %sign3A_129 = arith.extui %sign3A_128 : i1 to i32
    %sign3A_130 = arith.constant 0 : i32
    %sign3A_131 = arith.cmpi slt, %jit3A_116, %sign3A_130 : i32
    %sign3A_132 = arith.extui %sign3A_131 : i1 to i32
    %sign3A_133 = arith.subi %sign3A_129, %sign3A_132 : i32
    %ne3A = vector.broadcast %sign3A_133 : i32 to vector<4096x32xi32>
    %ne3A_134 = arith.cmpi ne, %sign3A_126, %ne3A : vector<4096x32xi32>
    %rem3A = vector.broadcast %jit3A_116 : i32 to vector<4096x32xi32>
    %rem3A_135 = arith.remsi %iota3A_115, %rem3A : vector<4096x32xi32>
    %ne3A_136 = arith.constant 0 : i32
    %ne3A_137 = vector.broadcast %ne3A_136 : i32 to vector<4096x32xi32>
    %ne3A_138 = arith.cmpi ne, %rem3A_135, %ne3A_137 : vector<4096x32xi32>
    %and3A = arith.andi %ne3A_134, %ne3A_138 : vector<4096x32xi1>
    %sub3A_139 = arith.constant 1 : i32
    %sub3A_140 = vector.broadcast %sub3A_139 : i32 to vector<4096x32xi32>
    %sub3A_141 = arith.subi %div3A_118, %sub3A_140 : vector<4096x32xi32>
    %select_n3A_142 = arith.select %and3A, %sub3A_141, %div3A_118 : vector<4096x32xi1>, vector<4096x32xi32>
    %iota3A_143 = tpu.iota {dimensions = array<i32: 1>} : vector<4096x32xi32>
    %eq3A_144 = arith.cmpi eq, %select_n3A_142, %iota3A_143 : vector<4096x32xi32>
    %convert_element_type3A_145 = arith.extui %eq3A_144 : vector<4096x32xi1> to vector<4096x32xi32>
    %convert_element_type3A_146 = arith.sitofp %convert_element_type3A_145 : vector<4096x32xi32> to vector<4096x32xf32>
    %dot_general3A_147 = arith.constant dense<0.000000e+00> : vector<8x32xf32>
    %dot_general3A_148 = tpu.matmul %convert_element_type3A_16, %convert_element_type3A_146, %dot_general3A_147 {dimension_numbers = #tpu.dot_dimension_numbers<[1], [0], [0], [1], [0, 0, 1, 1], [], []>, precision = #tpu.contract_precision<fp32>, transpose_lhs_hint = false} : vector<8x4096xf32>, vector<4096x32xf32>, vector<8x32xf32> -> vector<8x32xf32>
    %iota3A_149 = tpu.iota {dimensions = array<i32: 0>} : vector<32x32xi32>
    %iota3A_150 = tpu.iota {dimensions = array<i32: 1>} : vector<32x32xi32>
    %lt3A = arith.cmpi slt, %iota3A_149, %iota3A_150 : vector<32x32xi32>
    %convert_element_type3A_151 = arith.extui %lt3A : vector<32x32xi1> to vector<32x32xi32>
    %convert_element_type3A_152 = arith.sitofp %convert_element_type3A_151 : vector<32x32xi32> to vector<32x32xf32>
    %dot_general3A_153 = arith.constant dense<0.000000e+00> : vector<8x32xf32>
    %dot_general3A_154 = tpu.matmul %dot_general3A_148, %convert_element_type3A_152, %dot_general3A_153 {dimension_numbers = #tpu.dot_dimension_numbers<[1], [0], [0], [1], [0, 0, 1, 1], [], []>, precision = #tpu.contract_precision<fp32>, transpose_lhs_hint = false} : vector<8x32xf32>, vector<32x32xf32>, vector<8x32xf32> -> vector<8x32xf32>
    %iota3A_155 = tpu.iota {dimensions = array<i32: 0>} : vector<32x4096xi32>
    %iota3A_156 = tpu.iota {dimensions = array<i32: 1>} : vector<32x4096xi32>
    %jit3A_157 = arith.constant 128 : i32
    %div3A_158 = vector.broadcast %jit3A_157 : i32 to vector<32x4096xi32>
    %div3A_159 = arith.divsi %iota3A_156, %div3A_158 : vector<32x4096xi32>
    %sign3A_160 = arith.constant 0 : i32
    %sign3A_161 = vector.broadcast %sign3A_160 : i32 to vector<32x4096xi32>
    %sign3A_162 = arith.cmpi sgt, %iota3A_156, %sign3A_161 : vector<32x4096xi32>
    %sign3A_163 = arith.extui %sign3A_162 : vector<32x4096xi1> to vector<32x4096xi32>
    %sign3A_164 = arith.constant 0 : i32
    %sign3A_165 = vector.broadcast %sign3A_164 : i32 to vector<32x4096xi32>
    %sign3A_166 = arith.cmpi slt, %iota3A_156, %sign3A_165 : vector<32x4096xi32>
    %sign3A_167 = arith.extui %sign3A_166 : vector<32x4096xi1> to vector<32x4096xi32>
    %sign3A_168 = arith.subi %sign3A_163, %sign3A_167 : vector<32x4096xi32>
    %sign3A_169 = arith.constant 0 : i32
    %sign3A_170 = arith.cmpi sgt, %jit3A_157, %sign3A_169 : i32
    %sign3A_171 = arith.extui %sign3A_170 : i1 to i32
    %sign3A_172 = arith.constant 0 : i32
    %sign3A_173 = arith.cmpi slt, %jit3A_157, %sign3A_172 : i32
    %sign3A_174 = arith.extui %sign3A_173 : i1 to i32
    %sign3A_175 = arith.subi %sign3A_171, %sign3A_174 : i32
    %ne3A_176 = vector.broadcast %sign3A_175 : i32 to vector<32x4096xi32>
    %ne3A_177 = arith.cmpi ne, %sign3A_168, %ne3A_176 : vector<32x4096xi32>
    %rem3A_178 = vector.broadcast %jit3A_157 : i32 to vector<32x4096xi32>
    %rem3A_179 = arith.remsi %iota3A_156, %rem3A_178 : vector<32x4096xi32>
    %ne3A_180 = arith.constant 0 : i32
    %ne3A_181 = vector.broadcast %ne3A_180 : i32 to vector<32x4096xi32>
    %ne3A_182 = arith.cmpi ne, %rem3A_179, %ne3A_181 : vector<32x4096xi32>
    %and3A_183 = arith.andi %ne3A_177, %ne3A_182 : vector<32x4096xi1>
    %sub3A_184 = arith.constant 1 : i32
    %sub3A_185 = vector.broadcast %sub3A_184 : i32 to vector<32x4096xi32>
    %sub3A_186 = arith.subi %div3A_159, %sub3A_185 : vector<32x4096xi32>
    %select_n3A_187 = arith.select %and3A_183, %sub3A_186, %div3A_159 : vector<32x4096xi1>, vector<32x4096xi32>
    %eq3A_188 = arith.cmpi eq, %iota3A_155, %select_n3A_187 : vector<32x4096xi32>
    %convert_element_type3A_189 = arith.extui %eq3A_188 : vector<32x4096xi1> to vector<32x4096xi32>
    %convert_element_type3A_190 = arith.sitofp %convert_element_type3A_189 : vector<32x4096xi32> to vector<32x4096xf32>
    %dot_general3A_191 = arith.constant dense<0.000000e+00> : vector<8x4096xf32>
    %dot_general3A_192 = tpu.matmul %dot_general3A_154, %convert_element_type3A_190, %dot_general3A_191 {dimension_numbers = #tpu.dot_dimension_numbers<[1], [0], [0], [1], [0, 0, 1, 1], [], []>, precision = #tpu.contract_precision<fp32>, transpose_lhs_hint = false} : vector<8x32xf32>, vector<32x4096xf32>, vector<8x4096xf32> -> vector<8x4096xf32>
    %add3A = arith.addf %concatenate3A, %dot_general3A_192 : vector<8x4096xf32>
    %mul3A = arith.mulf %add3A, %convert_element_type3A_16 : vector<8x4096xf32>
    %reduce_sum3A_193 = arith.constant dense<0.000000e+00> : vector<4096xf32>
    %reduce_sum3A_194 = vector.multi_reduction <add>, %mul3A, %reduce_sum3A_193 [0] : vector<8x4096xf32> to vector<4096xf32>
    %broadcast_in_dim3A_195 = vector.shape_cast %reduce_sum3A_194 : vector<4096xf32> to vector<1x4096xf32>
    %slice3A_196 = vector.extract_strided_slice %add3A {offsets = [0, 4095], sizes = [8, 1], strides = [1, 1]} : vector<8x4096xf32> to vector<8x1xf32>
    %add3A_197 = arith.constant 5.110000e+02 : f32
    %add3A_198 = vector.broadcast %add3A_197 : f32 to vector<8x1xf32>
    %add3A_199 = arith.addf %slice3A_196, %add3A_198 : vector<8x1xf32>
    %div3A_200 = arith.constant 5.120000e+02 : f32
    %div3A_201 = vector.broadcast %div3A_200 : f32 to vector<8x1xf32>
    %div3A_202 = arith.divf %add3A_199, %div3A_201 : vector<8x1xf32>
    %floor3A = math.floor %div3A_202 : vector<8x1xf32>
    %iota3A_203 = tpu.iota {dimensions = array<i32: 0>} : vector<8x8xi32>
    %iota3A_204 = tpu.iota {dimensions = array<i32: 1>} : vector<8x8xi32>
    %lt3A_205 = arith.cmpi slt, %iota3A_204, %iota3A_203 : vector<8x8xi32>
    %convert_element_type3A_206 = arith.extui %lt3A_205 : vector<8x8xi1> to vector<8x8xi32>
    %convert_element_type3A_207 = arith.sitofp %convert_element_type3A_206 : vector<8x8xi32> to vector<8x8xf32>
    %dot_general3A_208 = arith.constant dense<0.000000e+00> : vector<8x1xf32>
    %dot_general3A_209 = tpu.matmul %convert_element_type3A_207, %floor3A, %dot_general3A_208 {dimension_numbers = #tpu.dot_dimension_numbers<[1], [0], [0], [1], [0, 0, 1, 1], [], []>, precision = #tpu.contract_precision<fp32>, transpose_lhs_hint = false} : vector<8x8xf32>, vector<8x1xf32>, vector<8x1xf32> -> vector<8x1xf32>
    %mul3A_210 = arith.constant 5.120000e+02 : f32
    %mul3A_211 = vector.broadcast %mul3A_210 : f32 to vector<8x1xf32>
    %mul3A_212 = arith.mulf %dot_general3A_209, %mul3A_211 : vector<8x1xf32>
    %mul3A_213 = vector.broadcast %mul3A_212 : vector<8x1xf32> to vector<8x4096xf32>
    %mul3A_214 = arith.mulf %mul3A_213, %convert_element_type3A_16 : vector<8x4096xf32>
    %reduce_sum3A_215 = arith.constant dense<0.000000e+00> : vector<4096xf32>
    %reduce_sum3A_216 = vector.multi_reduction <add>, %mul3A_214, %reduce_sum3A_215 [0] : vector<8x4096xf32> to vector<4096xf32>
    %broadcast_in_dim3A_217 = vector.shape_cast %reduce_sum3A_216 : vector<4096xf32> to vector<1x4096xf32>
    %add3A_218 = arith.addf %broadcast_in_dim3A_217, %broadcast_in_dim3A_195 : vector<1x4096xf32>
    %sub3A_219 = arith.constant 1.000000e+00 : f32
    %sub3A_220 = vector.broadcast %sub3A_219 : f32 to vector<1x4096xf32>
    %sub3A_221 = arith.subf %add3A_218, %sub3A_220 : vector<1x4096xf32>
    %convert_element_type3A_222 = arith.fptosi %sub3A_221 : vector<1x4096xf32> to vector<1x4096xi32>
    %swap3A = arith.constant 0 : index
    %swap3A_223 = arith.constant 0 : index
    %swap3A_224 = vector.load %arg1[%swap3A, %swap3A_223] : memref<1x4096xi32, #tpu.memory_space<vmem>>, vector<1x4096xi32>
    tpu.vector_store %arg1[%swap3A, %swap3A_223], %convert_element_type3A_222 {strides = array<i32>} : memref<1x4096xi32, #tpu.memory_space<vmem>>, vector<1x4096xi32>,
    %transpose3A = tpu.transpose %broadcast_in_dim3A_9, [1, 0] : vector<1x4096xf32> -> vector<4096x1xf32>
    %broadcast_in_dim3A_225 = vector.shape_cast %transpose3A : vector<4096x1xf32> to vector<4096x1xf32>
    %broadcast_in_dim3A_226 = vector.broadcast %broadcast_in_dim3A_225 : vector<4096x1xf32> to vector<4096x128xf32>
    %swap3A_227 = arith.constant 0 : index
    %swap3A_228 = arith.constant 0 : index
    %swap3A_229 = vector.load %arg2[%swap3A_227, %swap3A_228] : memref<4096x128xf32, #tpu.memory_space<vmem>>, vector<4096x128xf32>
    tpu.vector_store %arg2[%swap3A_227, %swap3A_228], %broadcast_in_dim3A_226 {strides = array<i32>} : memref<4096x128xf32, #tpu.memory_space<vmem>>, vector<4096x128xf32>,
    %div3A_230 = arith.constant 5.120000e+02 : f32
    %div3A_231 = vector.broadcast %div3A_230 : f32 to vector<8x1xf32>
    %div3A_232 = arith.divf %mul3A_212, %div3A_231 : vector<8x1xf32>
    %add3A_233 = arith.addf %div3A_232, %floor3A : vector<8x1xf32>
    %iota3A_234 = tpu.iota {dimensions = array<i32: 1>} : vector<8x15xi32>
    %convert_element_type3A_235 = arith.sitofp %iota3A_234 : vector<8x15xi32> to vector<8x15xf32>
    %le3A_236 = vector.broadcast %add3A_233 : vector<8x1xf32> to vector<8x15xf32>
    %le3A_237 = arith.cmpf ole, %le3A_236, %convert_element_type3A_235 : vector<8x15xf32>
    %convert_element_type3A_238 = arith.extui %le3A_237 : vector<8x15xi1> to vector<8x15xi32>
    %convert_element_type3A_239 = arith.sitofp %convert_element_type3A_238 : vector<8x15xi32> to vector<8x15xf32>
    %reduce_sum3A_240 = arith.constant dense<0.000000e+00> : vector<15xf32>
    %reduce_sum3A_241 = vector.multi_reduction <add>, %convert_element_type3A_239, %reduce_sum3A_240 [0] : vector<8x15xf32> to vector<15xf32>
    %broadcast_in_dim3A_242 = vector.shape_cast %reduce_sum3A_241 : vector<15xf32> to vector<1x15xf32>
    %min3A = arith.constant 7.000000e+00 : f32
    %min3A_243 = vector.broadcast %min3A : f32 to vector<1x15xf32>
    %min3A_244 = arith.minimumf %broadcast_in_dim3A_242, %min3A_243 : vector<1x15xf32>
    %convert_element_type3A_245 = arith.fptosi %min3A_244 : vector<1x15xf32> to vector<1x15xi32>
    %swap3A_246 = arith.constant 0 : index
    %swap3A_247 = arith.constant 0 : index
    %swap3A_248 = vector.load %arg3[%swap3A_246, %swap3A_247] : memref<1x15xi32, #tpu.memory_space<vmem>>, vector<1x15xi32>
    tpu.vector_store %arg3[%swap3A_246, %swap3A_247], %convert_element_type3A_245 {strides = array<i32>} : memref<1x15xi32, #tpu.memory_space<vmem>>, vector<1x15xi32>,
    %broadcast_in_dim3A_249 = arith.constant 1.000000e+00 : f32
    %broadcast_in_dim3A_250 = vector.broadcast %broadcast_in_dim3A_249 : f32 to vector<1x1xf32>
    %convert_element_type3A_251 = arith.fptosi %broadcast_in_dim3A_250 : vector<1x1xf32> to vector<1x1xi32>
    %reduce_sum3A_252 = vector.shape_cast %floor3A : vector<8x1xf32> to vector<1x8x1xf32>
    %reduce_sum3A_253 = arith.constant dense<0.000000e+00> : vector<1xf32>
    %reduce_sum3A_254 = vector.multi_reduction <add>, %reduce_sum3A_252, %reduce_sum3A_253 [1, 2] : vector<1x8x1xf32> to vector<1xf32>
    %reduce_sum3A_255 = vector.shape_cast %reduce_sum3A_254 : vector<1xf32> to vector<1x1x1xf32>
    %reduce_sum3A_256 = vector.extract %reduce_sum3A_255[0, 0, 0] : f32 from vector<1x1x1xf32>
    %convert_element_type3A_257 = arith.fptosi %reduce_sum3A_256 : f32 to i32
    %mul3A_258 = vector.broadcast %convert_element_type3A_257 : i32 to vector<1x1xi32>
    %mul3A_259 = arith.muli %convert_element_type3A_251, %mul3A_258 : vector<1x1xi32>
    %swap3A_260 = arith.constant 0 : index
    %swap3A_261 = arith.constant 0 : index
    %swap3A_262 = vector.load %arg4[%swap3A_260, %swap3A_261] : memref<1x1xi32, #tpu.memory_space<vmem>>, vector<1x1xi32>
    tpu.vector_store %arg4[%swap3A_260, %swap3A_261], %mul3A_259 {strides = array<i32>} : memref<1x1xi32, #tpu.memory_space<vmem>>, vector<1x1xi32>,
    %dot_general3A_263 = arith.constant dense<0.000000e+00> : vector<8x1xf32>
    %dot_general3A_264 = tpu.matmul %convert_element_type3A_16, %broadcast_in_dim3A_9, %dot_general3A_263 {dimension_numbers = #tpu.dot_dimension_numbers<[1], [1], [0], [0], [0, 0, 1, 0], [], []>, precision = #tpu.contract_precision<fp32>, transpose_lhs_hint = false} : vector<8x4096xf32>, vector<1x4096xf32>, vector<8x1xf32> -> vector<8x1xf32>
    %mul3A_265 = arith.mulf %slice3A_196, %dot_general3A_264 : vector<8x1xf32>
    %reduce_sum3A_266 = vector.shape_cast %mul3A_265 : vector<8x1xf32> to vector<1x8x1xf32>
    %reduce_sum3A_267 = arith.constant dense<0.000000e+00> : vector<1xf32>
    %reduce_sum3A_268 = vector.multi_reduction <add>, %reduce_sum3A_266, %reduce_sum3A_267 [1, 2] : vector<1x8x1xf32> to vector<1xf32>
    %reduce_sum3A_269 = vector.shape_cast %reduce_sum3A_268 : vector<1xf32> to vector<1x1x1xf32>
    %reduce_sum3A_270 = vector.extract %reduce_sum3A_269[0, 0, 0] : f32 from vector<1x1x1xf32>
    %mul3A_271 = arith.constant 3.49245978E-16 : f32
    %mul3A_272 = arith.mulf %reduce_sum3A_270, %mul3A_271 : f32
    %broadcast_in_dim3A_273 = arith.constant 1.000000e+00 : f32
    %broadcast_in_dim3A_274 = vector.broadcast %broadcast_in_dim3A_273 : f32 to vector<1x1xf32>
    %mul3A_275 = vector.broadcast %mul3A_272 : f32 to vector<1x1xf32>
    %mul3A_276 = arith.mulf %broadcast_in_dim3A_274, %mul3A_275 : vector<1x1xf32>
    %swap3A_277 = arith.constant 0 : index
    %swap3A_278 = arith.constant 0 : index
    %swap3A_279 = vector.load %arg5[%swap3A_277, %swap3A_278] : memref<1x1xf32, #tpu.memory_space<vmem>>, vector<1x1xf32>
    tpu.vector_store %arg5[%swap3A_277, %swap3A_278], %mul3A_276 {strides = array<i32>} : memref<1x1xf32, #tpu.memory_space<vmem>>, vector<1x1xf32>,
    return
  }
}

</mosaic_0001>

<sc_bundles>
// kernel: kernel.6.cloned.1.call-start
scs
__scs_entry_jumppad:
0x0: {  	(pc) =	sbr.rel $0x88, $3  }
0x1: {  	(tag) =	ssettag $0x0;
	lr =	simm.s32 $0x1  }
0x2: {  	[smem:$0x3F9C] =	sst lr;
	_ =	strace $0xD0000000  }
0x3: {  	_ = 	snop  }
0x4: {  	_ = 	snop  }
0x5: {  	_ = 	snop  }
0x6: {  	_ = 	snop  }
0x7: {  	_ = 	snop  }
__scs_overlays_trampoline_lowered:
0x8: {  	[smem:$0x3FAB] =	sst s0  }
0x9: {  	[smem:$0x3FAC] =	sst s1  }
0xa: {  	[smem:$0x3FAD] =	sst s2  }
0xb: {  	[smem:$0x3FAE] =	sst s3  }
0xc: {  	[smem:$0x3FAF] =	sst s4  }
0xd: {  	[smem:$0x3FB0] =	sst s5  }
0xe: {  	[smem:$0x3FB1] =	sst s6  }
0xf: {  	[smem:$0x3FB2] =	sst s7  }
0x10: {  	[smem:$0x3FB3] =	sst s8  }
0x11: {  	[smem:$0x3FB4] =	sst s9;
	s0 =	simm.s32 @!p0 $0x0  }
0x12: {  	s1 =	sld [smem:$0x3F9A];
	s0 =	simm.s32 @p0 $0x1  }
0x13: {  	[smem:$0x3FB5] =	sst s0;
	s0 =	simm.s32 @!p1 $0x0  }
0x14: {  	s2 =	sld [smem:$0x3F99];
	s0 =	simm.s32 @p1 $0x1  }
0x15: {  	[smem:$0x3FB6] =	sst s0;
	s0 =	simm.s32 @!p2 $0x0  }
0x16: {  	s3 =	sld [smem:$0x3FDB];
	s0 =	simm.s32 @p2 $0x1  }
0x17: {  	s4 =	simm.s32 $0x1BF5;
	[smem:$0x3FB8] =	sst s0  }
0x18: {  	s0 =	sld [smem:$0x3F9B];
	_ =	swait.ge [sflag:s4], $0x0  }
0x19: {  	s7 =	sld [smem:$0x3F9C]  }
0x1a: {  	s8 =	sadd.s32 $0xFFFFE003, lr  }
0x1b: {  	s9 =	sadd.s32 $0xFFFFFEF7, lr;
	s5 =	simm.s32 $0xFFFFFFFF;
	p2 =	slt.u32 s8, $0xFFFFF086  }
0x1c: {  	p1 =	slt.u32 s9, $0xF7A;
	s5 =	simm.s32 @!p2 $0x0  }
0x1d: {  	s5 =	simm.s32 @p1 $0x1;
	p0 =	seq.s32 s7, s2  }
0x1e: {  	s7 =	smul.u32 @!p0 $0xF7A, s2;
	p2 =	seq.s32 @!p0 s5, $0x0  }
0x1f: {  	s9 =	smul.u32 $0xF7A, s1;
	s8 =	simm.s32 @!p0 $0x1BF5;
	p2 =	por !p2, p0  }
0x20: {  	[sflag:s8] =	ssyncset.s32 @!p0 $0xFFFFF086;
	s6 =	sadd.s32 @!p0 s3, s7;
	s7 =	simm.s32 @!p0 $0x108  }
0x21: {  	s3 =	sadd.s32 s3, s9;
	s6 =	sadd.s32 @!p0 $0x88, s6;
	s7 =	simm.s32 @p2 $0x1082  }
0x22: {  	[simem:s7], [sflag:s8] =	dma.local @!p0 [hbm:s6], $0xF7A  }
0x23: {  	s9 =	sor.u32 $0xD0000000, s2;
	s6 =	simm.s32 $0x108;
	_ =	swait.ge @!p0 [sflag:s8], $0x0  }
0x24: {  	s3 =	sadd.s32 $0x88, s3;
	s6 =	simm.s32 @!p1 $0x1082;
	[sflag:s4] =	ssyncset.s32 $0xFFFFF086  }
0x25: {  	[simem:s6], [sflag:s4] =	dma.local [hbm:s3], $0xF7A  }
0x26: {  	[smem:$0x3F9C] =	sst s1;
	(tag) =	ssettag s2;
	_ =	strace s9  }
0x27: {  	s1 =	sld [smem:$0x3FAC]  }
0x28: {  	s2 =	sld [smem:$0x3FAD]  }
0x29: {  	s4 =	sld [smem:$0x3FAF]  }
0x2a: {  	p0 =	seq.s32 s5, $0x0;
	s5 =	sld [smem:$0x3FB0]  }
0x2b: {  	s6 =	sld [smem:$0x3FB1]  }
0x2c: {  	s7 =	sld [smem:$0x3FB2]  }
0x2d: {  	s3 =	simm.s32 $0x108;
	s8 =	sld [smem:$0x3FB3]  }
0x2e: {  	s3 =	simm.s32 @!p0 $0x1082;
	s9 =	sld [smem:$0x3FB4]  }
0x2f: {  	lr =	sadd.s32 s0, s3;
	s0 =	sld [smem:$0x3FAB]  }
0x30: {  	s3 =	sld [smem:$0x3FAE]  }
0x31: {  	[smem:$0x3FB7] =	sst s10  }
0x32: {  	s10 =	sld [smem:$0x3FB5];
	_ =	sdelay $0x3  }
0x33: {  	p0 =	seq.s32 s10, $0x1;
	s10 =	sld [smem:$0x3FB7];
	_ =	sdelay $0x3  }
0x34: {  	[smem:$0x3FB7] =	sst s10  }
0x35: {  	s10 =	sld [smem:$0x3FB6];
	_ =	sdelay $0x3  }
0x36: {  	p1 =	seq.s32 s10, $0x1;
	s10 =	sld [smem:$0x3FB7];
	_ =	sdelay $0x3  }
0x37: {  	[smem:$0x3FB7] =	sst s10  }
0x38: {  	s10 =	sld [smem:$0x3FB8]  }
0x39: {  	_ = 	snop;
	(pc) =	sbr.ind lr, $3  }
0x3a: {  	_ = 	snop  }
0x3b: {  	_ = 	snop  }
0x3c: {  	p2 =	seq.s32 s10, $0x1;
	s10 =	sld [smem:$0x3FB7]  }
0x3d: {  	_ =	shalt  }
0x3e: {  	_ =	shalt  }
0x3f: {  	_ =	shalt  }
0x40: {  	_ =	shalt  }
0x41: {  	_ =	shalt  }
0x42: {  	_ =	shalt  }
0x43: {  	_ =	shalt  }
0x44: {  	_ =	shalt  }
0x45: {  	_ =	shalt  }
0x46: {  	_ =	shalt  }
0x47: {  	_ =	shalt  }
0x48: {  	_ =	shalt  }
0x49: {  	_ =	shalt  }
0x4a: {  	_ =	shalt  }
0x4b: {  	_ =	shalt  }
0x4c: {  	_ =	shalt  }
0x4d: {  	_ =	shalt  }
0x4e: {  	_ =	shalt  }
0x4f: {  	_ =	shalt  }
0x50: {  	_ =	shalt  }
0x51: {  	_ =	shalt  }
0x52: {  	_ =	shalt  }
0x53: {  	_ =	shalt  }
0x54: {  	_ =	shalt  }
0x55: {  	_ =	shalt  }
0x56: {  	_ =	shalt  }
0x57: {  	_ =	shalt  }
0x58: {  	_ =	shalt  }
0x59: {  	_ =	shalt  }
0x5a: {  	_ =	shalt  }
0x5b: {  	_ =	shalt  }
0x5c: {  	_ =	shalt  }
0x5d: {  	_ =	shalt  }
0x5e: {  	_ =	shalt  }
0x5f: {  	_ =	shalt  }
0x60: {  	_ =	shalt  }
0x61: {  	_ =	shalt  }
0x62: {  	_ =	shalt  }
0x63: {  	_ =	shalt  }
0x64: {  	_ =	shalt  }
0x65: {  	_ =	shalt  }
0x66: {  	_ =	shalt  }
0x67: {  	_ =	shalt  }
0x68: {  	_ =	shalt  }
0x69: {  	_ =	shalt  }
0x6a: {  	_ =	shalt  }
0x6b: {  	_ =	shalt  }
0x6c: {  	_ =	shalt  }
0x6d: {  	_ =	shalt  }
0x6e: {  	_ =	shalt  }
0x6f: {  	_ =	shalt  }
0x70: {  	_ =	shalt  }
0x71: {  	_ =	shalt  }
0x72: {  	_ =	shalt  }
0x73: {  	_ =	shalt  }
0x74: {  	_ =	shalt  }
0x75: {  	_ =	shalt  }
0x76: {  	_ =	shalt  }
0x77: {  	_ =	shalt  }
0x78: {  	_ =	shalt  }
0x79: {  	_ =	shalt  }
0x7a: {  	_ =	shalt  }
0x7b: {  	_ =	shalt  }
0x7c: {  	_ =	shalt  }
0x7d: {  	_ =	shalt  }
0x7e: {  	_ =	shalt  }
0x7f: {  	_ =	shalt  }
0x80: {  	_ =	shalt  }
0x81: {  	_ =	shalt  }
0x82: {  	_ =	shalt  }
0x83: {  	_ =	shalt  }
0x84: {  	_ =	shalt  }
0x85: {  	_ =	shalt  }
0x86: {  	_ =	shalt  }
0x87: {  	_ =	shalt  }
.Lfunc_end0:
.L_simem_size_0:
called_computation_lowered:
.L_overlay_start_0:
0x88: {  	s2 =	sld [smem:$0x3FD9]  }
0x89: {  	s3 =	sld [smem:$0x3FFE];
	_ =	sdelay $0x1  }
0x8a: {  	s1 =	srdreg.scid  }
0x8b: {  	s0 =	sand.u32 $0x1, s1  }
0x8c: {  	s14 =	sshll.u32 s0, $0xA;
	s2 =	sadd.s32 s3, s2  }
0x8d: {  	s2 =	sadd.s32 s2, s14  }
0x8e: {  	[smem:$0x3FC3] =	sst s2  }
0x8f: {  	_ = 	snop  }
0x90: {  	s2 =	sld [smem:$0x3FD0];
	_ =	sdelay $0x2  }
0x91: {  	s4 =	simm.s32 $0xA;
	s5 =	simm.s32 $0x10;
	s15 =	sld [smem:$0x3FC9]  }
0x92: {  	[smem:s5], [sflag:s4] =	dma.local [hbm:s2], $0x1  }
0x93: {  	_ =	swait.eq [sflag:s4], $0x1  }
0x94: {  	[sflag:s4] =	ssyncset.done $0x0  }
0x95: {  	[sflag:s4] =	ssyncadd.s32 $0xFFFFFFFF  }
0x96: {  	s16 =	sld [smem:$0x10];
	(tm) =	ssettm $0x1  }
0x97: {  	s17 =	sld [smem:$0x3FFB];
	_ =	sdelay $0x3  }
0x98: {  	_ =	strace s17  }
0x99: {  	s4 =	sld [smem:$0x3FFC];
	_ =	sdelay $0x3  }
0x9a: {  	_ =	strace s4  }
0x9b: {  	s4 =	sld [smem:$0x3FFD];
	_ =	sdelay $0x3  }
0x9c: {  	_ =	strace s4  }
0x9d: {  	_ =	strace $0x8FFFFFFF  }
0x9e: {  	s18 =	sld [smem:$0x3FDB];
	_ =	sdelay $0x1  }
0x9f: {  	s19 =	simm.s32 $_scs_section_size  }
0xa0: {  	s6 =	simm.s32 $_size__tile_overlayer_lowered;
	s7 =	simm.s32 $_tile_overlayer_lowered  }
0xa1: {  	s22 =	simm.s32 $0x1BFF;
	s21 =	sshll.u32 s7, $0x1;
	s4 =	sadd.s32 s19, s18  }
0xa2: {  	s8 =	simm.s32 $0x0;
	s20 =	sshll.u32 s6, $0x1;
	s6 =	sadd.s32 s21, s4  }
0xa3: {  	[timem:s8], [sflag:s22] =	dma.local [hbm:s6], s20  }
0xa4: {  	_ =	swait.ge [sflag:s22], s20  }
0xa5: {  	s5 =	ssub.s32 $0x0, s20;
	[sflag:s22] =	ssyncset.done $0x0  }
0xa6: {  	[sflag:s22] =	ssyncadd.s32 s5;
	_ =	sdelay $0x1  }
0xa7: {  	s23 =	simm.s32 $0x1B8B  }
0xa8: {  	_ =	swait.ge [sflag:s23], $0x1  }
0xa9: {  	[sflag:s23] =	ssyncset.done $0x0  }
0xaa: {  	s25 =	simm.s32 $0x1B8E;
	s24 =	sld [smem:$0x3FFE];
	[sflag:s23] =	ssyncadd.s32 $0xFFFFFFFF  }
0xab: {  	s26 =	simm.s32 $execute0_lowered;
	[smem:$0x3FD2] =	sst s25  }
0xac: {  	s6 =	sshll.u32 s26, $0x1;
	_ =	strace $0x80000046;
	[dreg:$0x1] =	wrdreg $0xFFFFFFFF  }
0xad: {  	s28 =	simm.s32 $_size_execute0_lowered;
	s4 =	sadd.s32 s4, s6;
	[dreg:$0x0] =	wrdreg $0x0  }
0xae: {  	s6 =	sshll.u32 s28, $0x1;
	[dreg:$0x2] =	wrdreg s4  }
0xaf: {  	[dreg:$0x3] =	wrdreg s6  }
0xb0: {  	[dreg:$0x4] =	wrdreg $0xC0  }
0xb1: {  	_ =	task [dreg:s8], $0x5FFFF  }
0xb2: {  	[dreg:$0x1] =	wrdreg $0xFFFFFFFF  }
0xb3: {  	[dreg:$0x0] =	wrdreg $0x60  }
0xb4: {  	[dreg:$0x2] =	wrdreg s15  }
0xb5: {  	[dreg:$0x3] =	wrdreg s24  }
0xb6: {  	[dreg:$0x4] =	wrdreg s16  }
0xb7: {  	[dreg:$0x5] =	wrdreg $0x9  }
0xb8: {  	_ =	task.clear_ibuf [dreg:s8], $0x6FFFF;
	_ =	strace $0x90000046  }
0xb9: {  	s29 =	simm.s32 $0x9;
	_ =	strace $0x80000048  }
0xba: {  	_ =	swait.ge [sflag:s29], $0x1  }
0xbb: {  	[sflag:s29] =	ssyncadd.s32 $0xFFFFFFFF  }
0xbc: {  	_ =	strace $0x90000048  }
0xbd: {  	_ =	sfence  }
0xbe: {  	s30 =	sld [smem:$0x0];
	_ =	sdelay $0x2  }
0xbf: {  	s31 =	sshll.u32 s1, $0xD;
	s1 =	sshrl.u32 s1, $0x2  }
0xc0: {  	s3 =	sand.u32 $0x4000, s31;
	s1 =	sadd.s32 s1, s30  }
0xc1: {  	s0 =	sor.u32 s3, s0;
	s1 =	sshll.u32 s1, $0x11  }
0xc2: {  	s0 =	sor.u32 s1, s0  }
0xc3: {  	s0 =	sadd.s32 $0x8F2B, s0  }
0xc4: {  	[sflag:s0] =	ssyncadd.remote.s32 $0x1  }
0xc5: {  	_ =	sfence.sel $0xFFFF  }
0xc6: {  	[dreg:$0x0] =	wrdreg $0xFFFFFFFF;
	(pc) =	sbr.abs _section_cstart, $3  }
0xc7: {  	[dreg:$0x1] =	wrdreg $0xFFFFFFFF  }
0xc8: {  	_ =	task.clear_ibuf [dreg:s8], $0x2FFFF;
	_ =	strace $0x9FFFFFFF  }
0xc9: {  	(tm) =	ssettm $0x7FFFFFFF  }
tec
execute0_lowered:
.L_overlay_start_1:
0x0: {  	(tag) =	ssettag $0x1  }
0x1: {  	s0 =	rddreg [dreg:$0x0]  }
0x2: {  	s1 =	rddreg [dreg:$0x1]  }
0x3: {  	s3 =	srdreg.scid;
	s5 =	stileid.u32;
	s25 =	simm.s32 $0x40  }
0x4: {  	s26 =	simm.s32 $0x60;
	s11 =	simm.s32 $0x80;
	s12 =	simm.s32 $0x10080  }
0x5: {  	s13 =	simm.s32 $0x8080;
	s2 =	simm.s32 $0x20;
	s29 =	simm.s32 $0xC080  }
0x6: {  	s30 =	simm.s32 $0xC880;
	s31 =	simm.s32 $0xD080;
	s28 =	simm.s32 $0xD880  }
0x7: {  	s4 =	sand.u32 $0x1, s3;
	s3 =	simm.s32 $0x0;
	s5 =	sshll.u32 s5, $0x8  }
0x8: {  	s8 =	sadd.s32 $0x1C00, s1;
	s6 =	sshll.u32 s4, $0x7;
	[smem:$0x7FF] =	sst s3  }
0x9: {  	s9 =	ssub.s32 $0x2, s4;
	s4 =	sadd.s32 $0x11E00, s1;
	s5 =	sor.u32 s6, s5  }
0xa: {  	_ =	strace $0x80000047;
	s10 =	sshrl.u32 s9, $0x1;
	[dreg:$0xd] =	wrdreg s25  }
0xb: {  	[dreg:$0xe] =	wrdreg s26;
	s26 =	simm.s32 $0xB880;
	s6 =	sshrl.u32 s5, $0x3  }
0xc: {  	s9 =	ssub.s32 s9, s10;
	s14 =	sshll.u32 s5, $0x7;
	s5 =	sshll.u32 s5, $0x4  }
0xd: {  	s7 =	sadd.s32 s6, s1;
	s15 =	sor.u32 $0x4, s6;
	s5 =	sadd.s32 s8, s5  }
0xe: {  	s20 =	sor.u32 $0x8, s6;
	s6 =	sor.u32 $0xC, s6;
	s7 =	sadd.s32 $0x11C00, s7  }
0xf: {  	s16 =	sshll.u32 s15, $0xA;
	[dreg:$0x6] =	wrdreg s5;
	s18 =	sshll.u32 s15, $0x7  }
0x10: {  	s5 =	sadd.s32 $0x11F00, s1;
	s21 =	sshll.u32 s20, $0xA;
	s22 =	sshll.u32 s6, $0xA  }
0x11: {  	s23 =	sshll.u32 s6, $0x7;
	s6 =	sadd.s32 $0x12000, s1;
	s15 =	simm.s32 $0x2  }
0x12: {  	[dreg:$0x4] =	wrdreg s7;
	s7 =	sadd.s32 s0, s14;
	s17 =	sadd.s32 s0, s16  }
0x13: {  	s19 =	sadd.s32 s8, s18;
	s10 =	sadd.s32 s0, s21;
	[dreg:$0x5] =	wrdreg s7  }
0x14: {  	s0 =	sadd.s32 s0, s22;
	s24 =	sadd.s32 s8, s23;
	[dreg:$0x7] =	wrdreg s17  }
0x15: {  	s22 =	simm.s32 $0x6;
	s14 =	simm.s32 $0x8;
	[dreg:$0x8] =	wrdreg s19  }
0x16: {  	s16 =	simm.s32 $0x3;
	s21 =	simm.s32 $0xB080;
	[dreg:$0x9] =	wrdreg s10  }
0x17: {  	s23 =	simm.s32 $0xE080;
	s18 =	simm.s32 $0x11080;
	[dreg:$0xb] =	wrdreg s0  }
0x18: {  	v2 =	vlaneseq.u32;
	s7 =	sshll.u32 s20, $0x7;
	[dreg:$0xc] =	wrdreg s24;
	s19 =	smax.u32 s9, $0x1  }
0x19: {  	vm0 =	vmmov $0xffff;
	v1 =	vshrl.u32 v2, $0x3;
	s17 =	simm.s32 $0x5;
	s20 =	simm.s32 $0xA880;
	s7 =	sadd.s32 s8, s7  }
0x1a: {  	v0 =	vand.u32 $0x7, v2;
	v2 =	vor.u32 $0x8, v2;
	v1 =	vmul.u32 $0x8, v1;
	s8 =	simm.s32 $0x9;
	[dreg:$0xa] =	wrdreg s7;
	s7 =	sadd.s32 $0x12100, s1  }
.LBB2_1:
0x1b: {  	s24 =	rddreg [dreg:$0x4];
	s9 =	simm.s32 $0x1  }
0x1c: {  	[tilespmem:s3], [sflag:$0x1] =	stream.linear.gather [hbm4b:s24+s3], $0x80, $0x38;
	[tilespmem:$0x12080] =	vst v63  }
0x1d: {  	_ =	swait.ge [sflag:s9], $0x80  }
0x1e: {  	[sflag:s9] =	ssyncset.done $0x0  }
0x1f: {  	s0 =	rddreg [dreg:$0x5];
	[sflag:s9] =	ssyncadd.s32 $0xFFFFFF80  }
0x20: {  	[tilespmem:s11], [sflag:$0x2] =	stream.linear.gather [hbm4b:s0+s3], $0x8000, $0x38;
	[tilespmem:$0x12080] =	vst v63  }
0x21: {  	s25 =	rddreg [dreg:$0x6]  }
0x22: {  	[tilespmem:s12], [sflag:$0x4] =	stream.linear.gather [hbm4b:s25+s3], $0x1000, $0x38;
	[tilespmem:$0x12080] =	vst v63  }
0x23: {  	s1 =	rddreg [dreg:$0x7]  }
0x24: {  	[tilespmem:s13], [sflag:$0x3] =	stream.linear.gather [hbm4b:s1+s3], $0x8000, $0x38;
	[tilespmem:$0x12080] =	vst v63  }
0x25: {  	s9 =	rddreg [dreg:$0x8];
	s0 =	simm.s32 $0x11080  }
0x26: {  	[tilespmem:s0], [sflag:$0x5] =	stream.linear.gather [hbm4b:s9+s3], $0x1000, $0x38;
	[tilespmem:$0x12080] =	vst v63  }
0x27: {  	_ =	swait.ge [sflag:s15], $0x8000  }
0x28: {  	[sflag:s15] =	ssyncset.done $0x0  }
0x29: {  	s1 =	simm.s32 $0x4;
	[sflag:s15] =	ssyncadd.s32 $0xFFFF8000  }
0x2a: {  	_ =	swait.ge [sflag:s1], $0x1000  }
0x2b: {  	[sflag:s1] =	ssyncset.done $0x0  }
0x2c: {  	[sflag:s1] =	ssyncadd.s32 $0xFFFFF000  }
0x2d: {  	v3 =	vld [tilespmem:$0x0];
	_ =	sdelay $0x4  }
0x2e: {  	v4 =	vshll.u32 v3, $0x3  }
0x2f: {  	v3 =	vand.u32 $0x7, v3;
	v4 =	vand.u32 $0xFFFFFFC0, v4  }
0x30: {  	v3 =	vor.u32 v3, v4  }
0x31: {  	v4 =	vperm.xlane v3, v0;
	_ =	sdelay $0x1  }
0x32: {  	v4 =	vadd.s32 v1, v4;
	_ =	sdelay $0x4  }
0x33: {  	[hbm4b:s4+s3] =	stream.indirect_vreg.scatter [tilespmem:s11], [sflag:$0x6], $0x80, v4, vm0, $0xb8;
	[tilespmem:$0x12080] =	vst v63  }
0x34: {  	s10 =	simm.s32 $0x880;
	v3 =	vperm.xlane v3, v2  }
0x35: {  	[hbm4b:s5+s3] =	stream.indirect_vreg.scatter [tilespmem:s10], [sflag:$0x6], $0x80, v4, vm0, $0xb8;
	[tilespmem:$0x12080] =	vst v63  }
0x36: {  	s24 =	simm.s32 $0x1080;
	v3 =	vadd.s32 v1, v3  }
0x37: {  	[hbm4b:s6+s3] =	stream.indirect_vreg.scatter [tilespmem:s24], [sflag:$0x6], $0x80, v4, vm0, $0xb8;
	[tilespmem:$0x12080] =	vst v63  }
0x38: {  	s25 =	simm.s32 $0x1880  }
0x39: {  	[hbm4b:s7+s3] =	stream.indirect_vreg.scatter [tilespmem:s25], [sflag:$0x6], $0x80, v4, vm0, $0xb8;
	[tilespmem:$0x12080] =	vst v63  }
0x3a: {  	s9 =	simm.s32 $0x2080  }
0x3b: {  	[hbm4b:s4+s3] =	stream.indirect_vreg.scatter [tilespmem:s9], [sflag:$0x6], $0x80, v3, vm0, $0xb8;
	[tilespmem:$0x12080] =	vst v63  }
0x3c: {  	s10 =	simm.s32 $0x2880  }
0x3d: {  	[hbm4b:s5+s3] =	stream.indirect_vreg.scatter [tilespmem:s10], [sflag:$0x6], $0x80, v3, vm0, $0xb8;
	[tilespmem:$0x12080] =	vst v63  }
0x3e: {  	s24 =	simm.s32 $0x3080  }
0x3f: {  	[hbm4b:s6+s3] =	stream.indirect_vreg.scatter [tilespmem:s24], [sflag:$0x6], $0x80, v3, vm0, $0xb8;
	[tilespmem:$0x12080] =	vst v63  }
0x40: {  	s25 =	simm.s32 $0x3880  }
0x41: {  	[hbm4b:s7+s3] =	stream.indirect_vreg.scatter [tilespmem:s25], [sflag:$0x6], $0x80, v3, vm0, $0xb8;
	[tilespmem:$0x12080] =	vst v63  }
0x42: {  	v3 =	vld [tilespmem:$0x10];
	_ =	sdelay $0x4  }
0x43: {  	v57 =	vshll.u32 v3, $0x3  }
0x44: {  	v3 =	vand.u32 $0x7, v3;
	v4 =	vand.u32 $0xFFFFFFC0, v57  }
0x45: {  	v3 =	vor.u32 v3, v4  }
0x46: {  	v4 =	vperm.xlane v3, v0;
	_ =	sdelay $0x1  }
0x47: {  	v4 =	vadd.s32 v1, v4;
	_ =	sdelay $0x3  }
0x48: {  	s9 =	simm.s32 $0x4080  }
0x49: {  	[hbm4b:s4+s3] =	stream.indirect_vreg.scatter [tilespmem:s9], [sflag:$0x6], $0x80, v4, vm0, $0xb8;
	[tilespmem:$0x12080] =	vst v63  }
0x4a: {  	s10 =	simm.s32 $0x4880;
	v3 =	vperm.xlane v3, v2  }
0x4b: {  	[hbm4b:s5+s3] =	stream.indirect_vreg.scatter [tilespmem:s10], [sflag:$0x6], $0x80, v4, vm0, $0xb8;
	[tilespmem:$0x12080] =	vst v63  }
0x4c: {  	s24 =	simm.s32 $0x5080;
	v3 =	vadd.s32 v1, v3  }
0x4d: {  	[hbm4b:s6+s3] =	stream.indirect_vreg.scatter [tilespmem:s24], [sflag:$0x6], $0x80, v4, vm0, $0xb8;
	[tilespmem:$0x12080] =	vst v63  }
0x4e: {  	s25 =	simm.s32 $0x5880  }
0x4f: {  	[hbm4b:s7+s3] =	stream.indirect_vreg.scatter [tilespmem:s25], [sflag:$0x6], $0x80, v4, vm0, $0xb8;
	[tilespmem:$0x12080] =	vst v63  }
0x50: {  	s9 =	simm.s32 $0x6080  }
0x51: {  	[hbm4b:s4+s3] =	stream.indirect_vreg.scatter [tilespmem:s9], [sflag:$0x6], $0x80, v3, vm0, $0xb8;
	[tilespmem:$0x12080] =	vst v63  }
0x52: {  	s10 =	simm.s32 $0x6880  }
0x53: {  	[hbm4b:s5+s3] =	stream.indirect_vreg.scatter [tilespmem:s10], [sflag:$0x6], $0x80, v3, vm0, $0xb8;
	[tilespmem:$0x12080] =	vst v63  }
0x54: {  	s24 =	simm.s32 $0x7080  }
0x55: {  	[hbm4b:s6+s3] =	stream.indirect_vreg.scatter [tilespmem:s24], [sflag:$0x6], $0x80, v3, vm0, $0xb8;
	[tilespmem:$0x12080] =	vst v63  }
0x56: {  	s25 =	simm.s32 $0x7880  }
0x57: {  	[hbm4b:s7+s3] =	stream.indirect_vreg.scatter [tilespmem:s25], [sflag:$0x6], $0x80, v3, vm0, $0xb8;
	[tilespmem:$0x12080] =	vst v63  }
0x58: {  	s10 =	rddreg [dreg:$0x2]  }
0x59: {  	[hbm4b:s10+s2] =	stream.indirect.scatter [tilespmem:s12], [sflag:$0x8], $0x80, s3, s2, $0xb8;
	[tilespmem:$0x12080] =	vst v63  }
0x5a: {  	_ =	swait.ge [sflag:s22], $0x8000  }
0x5b: {  	[sflag:s22] =	ssyncset.done $0x0  }
0x5c: {  	[sflag:s22] =	ssyncadd.s32 $0xFFFF8000  }
0x5d: {  	_ =	swait.ge [sflag:s14], $0x1000  }
0x5e: {  	[sflag:s14] =	ssyncset.done $0x0  }
0x5f: {  	s0 =	rddreg [dreg:$0x9];
	[sflag:s14] =	ssyncadd.s32 $0xFFFFF000  }
0x60: {  	[tilespmem:s11], [sflag:$0x2] =	stream.linear.gather [hbm4b:s0+s3], $0x8000, $0x38;
	[tilespmem:$0x12080] =	vst v63  }
0x61: {  	s9 =	rddreg [dreg:$0xa]  }
0x62: {  	[tilespmem:s12], [sflag:$0x4] =	stream.linear.gather [hbm4b:s9+s3], $0x1000, $0x38;
	[tilespmem:$0x12080] =	vst v63  }
0x63: {  	_ =	swait.ge [sflag:s16], $0x8000  }
0x64: {  	[sflag:s16] =	ssyncset.done $0x0  }
0x65: {  	[sflag:s16] =	ssyncadd.s32 $0xFFFF8000  }
0x66: {  	_ =	swait.ge [sflag:s17], $0x1000  }
0x67: {  	[sflag:s17] =	ssyncset.done $0x0  }
0x68: {  	[sflag:s17] =	ssyncadd.s32 $0xFFFFF000  }
0x69: {  	v3 =	vld [tilespmem:$0x20];
	_ =	sdelay $0x4  }
0x6a: {  	v58 =	vshll.u32 v3, $0x3  }
0x6b: {  	v3 =	vand.u32 $0x7, v3;
	v4 =	vand.u32 $0xFFFFFFC0, v58  }
0x6c: {  	v3 =	vor.u32 v3, v4  }
0x6d: {  	v4 =	vperm.xlane v3, v0;
	_ =	sdelay $0x1  }
0x6e: {  	v4 =	vadd.s32 v1, v4;
	_ =	sdelay $0x4  }
0x6f: {  	[hbm4b:s4+s3] =	stream.indirect_vreg.scatter [tilespmem:s13], [sflag:$0x7], $0x80, v4, vm0, $0xb8;
	[tilespmem:$0x12080] =	vst v63  }
0x70: {  	s24 =	simm.s32 $0x8880;
	v3 =	vperm.xlane v3, v2  }
0x71: {  	[hbm4b:s5+s3] =	stream.indirect_vreg.scatter [tilespmem:s24], [sflag:$0x7], $0x80, v4, vm0, $0xb8;
	[tilespmem:$0x12080] =	vst v63  }
0x72: {  	s9 =	simm.s32 $0x9080;
	v3 =	vadd.s32 v1, v3  }
0x73: {  	[hbm4b:s6+s3] =	stream.indirect_vreg.scatter [tilespmem:s9], [sflag:$0x7], $0x80, v4, vm0, $0xb8;
	[tilespmem:$0x12080] =	vst v63  }
0x74: {  	s25 =	simm.s32 $0x9880  }
0x75: {  	[hbm4b:s7+s3] =	stream.indirect_vreg.scatter [tilespmem:s25], [sflag:$0x7], $0x80, v4, vm0, $0xb8;
	[tilespmem:$0x12080] =	vst v63  }
0x76: {  	s24 =	simm.s32 $0xA080  }
0x77: {  	[hbm4b:s4+s3] =	stream.indirect_vreg.scatter [tilespmem:s24], [sflag:$0x7], $0x80, v3, vm0, $0xb8;
	[tilespmem:$0x12080] =	vst v63  }
0x78: {  	_ = 	snop  }
0x79: {  	[hbm4b:s5+s3] =	stream.indirect_vreg.scatter [tilespmem:s20], [sflag:$0x7], $0x80, v3, vm0, $0xb8;
	[tilespmem:$0x12080] =	vst v63  }
0x7a: {  	_ = 	snop  }
0x7b: {  	[hbm4b:s6+s3] =	stream.indirect_vreg.scatter [tilespmem:s21], [sflag:$0x7], $0x80, v3, vm0, $0xb8;
	[tilespmem:$0x12080] =	vst v63  }
0x7c: {  	_ = 	snop  }
0x7d: {  	[hbm4b:s7+s3] =	stream.indirect_vreg.scatter [tilespmem:s26], [sflag:$0x7], $0x80, v3, vm0, $0xb8;
	[tilespmem:$0x12080] =	vst v63  }
0x7e: {  	v3 =	vld [tilespmem:$0x30];
	_ =	sdelay $0x4  }
0x7f: {  	v59 =	vshll.u32 v3, $0x3  }
0x80: {  	v3 =	vand.u32 $0x7, v3;
	v4 =	vand.u32 $0xFFFFFFC0, v59  }
0x81: {  	v3 =	vor.u32 v3, v4  }
0x82: {  	v4 =	vperm.xlane v3, v0;
	_ =	sdelay $0x1  }
0x83: {  	v4 =	vadd.s32 v1, v4;
	_ =	sdelay $0x4  }
0x84: {  	[hbm4b:s4+s3] =	stream.indirect_vreg.scatter [tilespmem:s29], [sflag:$0x7], $0x80, v4, vm0, $0xb8;
	[tilespmem:$0x12080] =	vst v63  }
0x85: {  	v3 =	vperm.xlane v3, v2  }
0x86: {  	[hbm4b:s5+s3] =	stream.indirect_vreg.scatter [tilespmem:s30], [sflag:$0x7], $0x80, v4, vm0, $0xb8;
	[tilespmem:$0x12080] =	vst v63  }
0x87: {  	v3 =	vadd.s32 v1, v3  }
0x88: {  	[hbm4b:s6+s3] =	stream.indirect_vreg.scatter [tilespmem:s31], [sflag:$0x7], $0x80, v4, vm0, $0xb8;
	[tilespmem:$0x12080] =	vst v63  }
0x89: {  	_ = 	snop  }
0x8a: {  	[hbm4b:s7+s3] =	stream.indirect_vreg.scatter [tilespmem:s28], [sflag:$0x7], $0x80, v4, vm0, $0xb8;
	[tilespmem:$0x12080] =	vst v63  }
0x8b: {  	_ = 	snop  }
0x8c: {  	[hbm4b:s4+s3] =	stream.indirect_vreg.scatter [tilespmem:s23], [sflag:$0x7], $0x80, v3, vm0, $0xb8;
	[tilespmem:$0x12080] =	vst v63  }
0x8d: {  	s25 =	simm.s32 $0xE880  }
0x8e: {  	[hbm4b:s5+s3] =	stream.indirect_vreg.scatter [tilespmem:s25], [sflag:$0x7], $0x80, v3, vm0, $0xb8;
	[tilespmem:$0x12080] =	vst v63  }
0x8f: {  	s24 =	simm.s32 $0xF080  }
0x90: {  	[hbm4b:s6+s3] =	stream.indirect_vreg.scatter [tilespmem:s24], [sflag:$0x7], $0x80, v3, vm0, $0xb8;
	[tilespmem:$0x12080] =	vst v63  }
0x91: {  	s25 =	simm.s32 $0xF880  }
0x92: {  	[hbm4b:s7+s3] =	stream.indirect_vreg.scatter [tilespmem:s25], [sflag:$0x7], $0x80, v3, vm0, $0xb8;
	[tilespmem:$0x12080] =	vst v63  }
0x93: {  	s0 =	simm.s32 $0x7  }
0x94: {  	[hbm4b:s10+s2] =	stream.indirect.scatter [tilespmem:s18], [sflag:$0x9], $0x80, s2, s2, $0xb8;
	[tilespmem:$0x12080] =	vst v63  }
0x95: {  	_ =	swait.ge [sflag:s0], $0x8000  }
0x96: {  	[sflag:s0] =	ssyncset.done $0x0  }
0x97: {  	[sflag:s0] =	ssyncadd.s32 $0xFFFF8000  }
0x98: {  	_ =	swait.ge [sflag:s8], $0x1000  }
0x99: {  	[sflag:s8] =	ssyncset.done $0x0  }
0x9a: {  	s24 =	rddreg [dreg:$0xb];
	[sflag:s8] =	ssyncadd.s32 $0xFFFFF000  }
0x9b: {  	[tilespmem:s13], [sflag:$0x3] =	stream.linear.gather [hbm4b:s24+s3], $0x8000, $0x38;
	[tilespmem:$0x12080] =	vst v63  }
0x9c: {  	s25 =	rddreg [dreg:$0xc]  }
0x9d: {  	[tilespmem:s18], [sflag:$0x5] =	stream.linear.gather [hbm4b:s25+s3], $0x1000, $0x38;
	[tilespmem:$0x12080] =	vst v63  }
0x9e: {  	_ =	swait.ge [sflag:s15], $0x8000  }
0x9f: {  	[sflag:s15] =	ssyncset.done $0x0  }
0xa0: {  	[sflag:s15] =	ssyncadd.s32 $0xFFFF8000  }
0xa1: {  	_ =	swait.ge [sflag:s1], $0x1000  }
0xa2: {  	[sflag:s1] =	ssyncset.done $0x0  }
0xa3: {  	[sflag:s1] =	ssyncadd.s32 $0xFFFFF000  }
0xa4: {  	v3 =	vld [tilespmem:$0x40];
	_ =	sdelay $0x4  }
0xa5: {  	v60 =	vshll.u32 v3, $0x3  }
0xa6: {  	v3 =	vand.u32 $0x7, v3;
	v4 =	vand.u32 $0xFFFFFFC0, v60  }
0xa7: {  	v3 =	vor.u32 v3, v4  }
0xa8: {  	v4 =	vperm.xlane v3, v0;
	_ =	sdelay $0x1  }
0xa9: {  	v4 =	vadd.s32 v1, v4;
	_ =	sdelay $0x4  }
0xaa: {  	[hbm4b:s4+s3] =	stream.indirect_vreg.scatter [tilespmem:s11], [sflag:$0x6], $0x80, v4, vm0, $0xb8;
	[tilespmem:$0x12080] =	vst v63  }
0xab: {  	s24 =	simm.s32 $0x880;
	v3 =	vperm.xlane v3, v2  }
0xac: {  	[hbm4b:s5+s3] =	stream.indirect_vreg.scatter [tilespmem:s24], [sflag:$0x6], $0x80, v4, vm0, $0xb8;
	[tilespmem:$0x12080] =	vst v63  }
0xad: {  	v3 =	vadd.s32 v1, v3;
	s24 =	simm.s32 $0x1080  }
0xae: {  	[hbm4b:s6+s3] =	stream.indirect_vreg.scatter [tilespmem:s24], [sflag:$0x6], $0x80, v4, vm0, $0xb8;
	[tilespmem:$0x12080] =	vst v63  }
0xaf: {  	s24 =	simm.s32 $0x1880  }
0xb0: {  	[hbm4b:s7+s3] =	stream.indirect_vreg.scatter [tilespmem:s24], [sflag:$0x6], $0x80, v4, vm0, $0xb8;
	[tilespmem:$0x12080] =	vst v63  }
0xb1: {  	s24 =	simm.s32 $0x2080  }
0xb2: {  	[hbm4b:s4+s3] =	stream.indirect_vreg.scatter [tilespmem:s24], [sflag:$0x6], $0x80, v3, vm0, $0xb8;
	[tilespmem:$0x12080] =	vst v63  }
0xb3: {  	s24 =	simm.s32 $0x2880  }
0xb4: {  	[hbm4b:s5+s3] =	stream.indirect_vreg.scatter [tilespmem:s24], [sflag:$0x6], $0x80, v3, vm0, $0xb8;
	[tilespmem:$0x12080] =	vst v63  }
0xb5: {  	s24 =	simm.s32 $0x3080  }
0xb6: {  	[hbm4b:s6+s3] =	stream.indirect_vreg.scatter [tilespmem:s24], [sflag:$0x6], $0x80, v3, vm0, $0xb8;
	[tilespmem:$0x12080] =	vst v63  }
0xb7: {  	s24 =	simm.s32 $0x3880  }
0xb8: {  	[hbm4b:s7+s3] =	stream.indirect_vreg.scatter [tilespmem:s24], [sflag:$0x6], $0x80, v3, vm0, $0xb8;
	[tilespmem:$0x12080] =	vst v63  }
0xb9: {  	v3 =	vld [tilespmem:$0x50];
	_ =	sdelay $0x4  }
0xba: {  	v61 =	vshll.u32 v3, $0x3  }
0xbb: {  	v3 =	vand.u32 $0x7, v3;
	v4 =	vand.u32 $0xFFFFFFC0, v61  }
0xbc: {  	v3 =	vor.u32 v3, v4  }
0xbd: {  	v4 =	vperm.xlane v3, v0;
	_ =	sdelay $0x1  }
0xbe: {  	v4 =	vadd.s32 v1, v4;
	_ =	sdelay $0x3  }
0xbf: {  	s24 =	simm.s32 $0x4080  }
0xc0: {  	[hbm4b:s4+s3] =	stream.indirect_vreg.scatter [tilespmem:s24], [sflag:$0x6], $0x80, v4, vm0, $0xb8;
	[tilespmem:$0x12080] =	vst v63  }
0xc1: {  	v3 =	vperm.xlane v3, v2;
	s24 =	simm.s32 $0x4880  }
0xc2: {  	[hbm4b:s5+s3] =	stream.indirect_vreg.scatter [tilespmem:s24], [sflag:$0x6], $0x80, v4, vm0, $0xb8;
	[tilespmem:$0x12080] =	vst v63  }
0xc3: {  	v3 =	vadd.s32 v1, v3;
	s24 =	simm.s32 $0x5080  }
0xc4: {  	[hbm4b:s6+s3] =	stream.indirect_vreg.scatter [tilespmem:s24], [sflag:$0x6], $0x80, v4, vm0, $0xb8;
	[tilespmem:$0x12080] =	vst v63  }
0xc5: {  	s24 =	simm.s32 $0x5880  }
0xc6: {  	[hbm4b:s7+s3] =	stream.indirect_vreg.scatter [tilespmem:s24], [sflag:$0x6], $0x80, v4, vm0, $0xb8;
	[tilespmem:$0x12080] =	vst v63  }
0xc7: {  	s24 =	simm.s32 $0x6080  }
0xc8: {  	[hbm4b:s4+s3] =	stream.indirect_vreg.scatter [tilespmem:s24], [sflag:$0x6], $0x80, v3, vm0, $0xb8;
	[tilespmem:$0x12080] =	vst v63  }
0xc9: {  	s24 =	simm.s32 $0x6880  }
0xca: {  	[hbm4b:s5+s3] =	stream.indirect_vreg.scatter [tilespmem:s24], [sflag:$0x6], $0x80, v3, vm0, $0xb8;
	[tilespmem:$0x12080] =	vst v63  }
0xcb: {  	s24 =	simm.s32 $0x7080  }
0xcc: {  	[hbm4b:s6+s3] =	stream.indirect_vreg.scatter [tilespmem:s24], [sflag:$0x6], $0x80, v3, vm0, $0xb8;
	[tilespmem:$0x12080] =	vst v63  }
0xcd: {  	s1 =	simm.s32 $0x7880  }
0xce: {  	[hbm4b:s7+s3] =	stream.indirect_vreg.scatter [tilespmem:s1], [sflag:$0x6], $0x80, v3, vm0, $0xb8;
	[tilespmem:$0x12080] =	vst v63  }
0xcf: {  	s24 =	rddreg [dreg:$0xd]  }
0xd0: {  	[hbm4b:s10+s2] =	stream.indirect.scatter [tilespmem:s12], [sflag:$0x8], $0x80, s24, s2, $0xb8;
	[tilespmem:$0x12080] =	vst v63  }
0xd1: {  	_ =	swait.ge [sflag:s16], $0x8000  }
0xd2: {  	[sflag:s16] =	ssyncset.done $0x0  }
0xd3: {  	[sflag:s16] =	ssyncadd.s32 $0xFFFF8000  }
0xd4: {  	_ =	swait.ge [sflag:s17], $0x1000  }
0xd5: {  	[sflag:s17] =	ssyncset.done $0x0  }
0xd6: {  	[sflag:s17] =	ssyncadd.s32 $0xFFFFF000  }
0xd7: {  	v3 =	vld [tilespmem:$0x60];
	_ =	sdelay $0x4  }
0xd8: {  	v62 =	vshll.u32 v3, $0x3  }
0xd9: {  	v3 =	vand.u32 $0x7, v3;
	v4 =	vand.u32 $0xFFFFFFC0, v62  }
0xda: {  	v3 =	vor.u32 v3, v4  }
0xdb: {  	v4 =	vperm.xlane v3, v0;
	_ =	sdelay $0x1  }
0xdc: {  	v4 =	vadd.s32 v1, v4;
	_ =	sdelay $0x4  }
0xdd: {  	[hbm4b:s4+s3] =	stream.indirect_vreg.scatter [tilespmem:s13], [sflag:$0x7], $0x80, v4, vm0, $0xb8;
	[tilespmem:$0x12080] =	vst v63  }
0xde: {  	s24 =	simm.s32 $0x8880;
	v3 =	vperm.xlane v3, v2  }
0xdf: {  	[hbm4b:s5+s3] =	stream.indirect_vreg.scatter [tilespmem:s24], [sflag:$0x7], $0x80, v4, vm0, $0xb8;
	[tilespmem:$0x12080] =	vst v63  }
0xe0: {  	v3 =	vadd.s32 v1, v3  }
0xe1: {  	[hbm4b:s6+s3] =	stream.indirect_vreg.scatter [tilespmem:s9], [sflag:$0x7], $0x80, v4, vm0, $0xb8;
	[tilespmem:$0x12080] =	vst v63  }
0xe2: {  	s9 =	simm.s32 $0x9880  }
0xe3: {  	[hbm4b:s7+s3] =	stream.indirect_vreg.scatter [tilespmem:s9], [sflag:$0x7], $0x80, v4, vm0, $0xb8;
	[tilespmem:$0x12080] =	vst v63  }
0xe4: {  	s24 =	simm.s32 $0xA080  }
0xe5: {  	[hbm4b:s4+s3] =	stream.indirect_vreg.scatter [tilespmem:s24], [sflag:$0x7], $0x80, v3, vm0, $0xb8;
	[tilespmem:$0x12080] =	vst v63  }
0xe6: {  	_ = 	snop  }
0xe7: {  	[hbm4b:s5+s3] =	stream.indirect_vreg.scatter [tilespmem:s20], [sflag:$0x7], $0x80, v3, vm0, $0xb8;
	[tilespmem:$0x12080] =	vst v63  }
0xe8: {  	_ = 	snop  }
0xe9: {  	[hbm4b:s6+s3] =	stream.indirect_vreg.scatter [tilespmem:s21], [sflag:$0x7], $0x80, v3, vm0, $0xb8;
	[tilespmem:$0x12080] =	vst v63  }
0xea: {  	_ = 	snop  }
0xeb: {  	[hbm4b:s7+s3] =	stream.indirect_vreg.scatter [tilespmem:s26], [sflag:$0x7], $0x80, v3, vm0, $0xb8;
	[tilespmem:$0x12080] =	vst v63  }
0xec: {  	v3 =	vld [tilespmem:$0x70];
	_ =	sdelay $0x4  }
0xed: {  	v63 =	vshll.u32 v3, $0x3  }
0xee: {  	v3 =	vand.u32 $0x7, v3;
	v4 =	vand.u32 $0xFFFFFFC0, v63  }
0xef: {  	v3 =	vor.u32 v3, v4  }
0xf0: {  	v4 =	vperm.xlane v3, v0;
	_ =	sdelay $0x1  }
0xf1: {  	v4 =	vadd.s32 v1, v4;
	_ =	sdelay $0x4  }
0xf2: {  	[hbm4b:s4+s3] =	stream.indirect_vreg.scatter [tilespmem:s29], [sflag:$0x7], $0x80, v4, vm0, $0xb8;
	[tilespmem:$0x12080] =	vst v63  }
0xf3: {  	v3 =	vperm.xlane v3, v2  }
0xf4: {  	[hbm4b:s5+s3] =	stream.indirect_vreg.scatter [tilespmem:s30], [sflag:$0x7], $0x80, v4, vm0, $0xb8;
	[tilespmem:$0x12080] =	vst v63  }
0xf5: {  	v3 =	vadd.s32 v1, v3  }
0xf6: {  	[hbm4b:s6+s3] =	stream.indirect_vreg.scatter [tilespmem:s31], [sflag:$0x7], $0x80, v4, vm0, $0xb8;
	[tilespmem:$0x12080] =	vst v63  }
0xf7: {  	_ = 	snop  }
0xf8: {  	[hbm4b:s7+s3] =	stream.indirect_vreg.scatter [tilespmem:s28], [sflag:$0x7], $0x80, v4, vm0, $0xb8;
	[tilespmem:$0x12080] =	vst v63  }
0xf9: {  	_ = 	snop  }
0xfa: {  	[hbm4b:s4+s3] =	stream.indirect_vreg.scatter [tilespmem:s23], [sflag:$0x7], $0x80, v3, vm0, $0xb8;
	[tilespmem:$0x12080] =	vst v63  }
0xfb: {  	s9 =	simm.s32 $0xE880  }
0xfc: {  	[hbm4b:s5+s3] =	stream.indirect_vreg.scatter [tilespmem:s9], [sflag:$0x7], $0x80, v3, vm0, $0xb8;
	[tilespmem:$0x12080] =	vst v63  }
0xfd: {  	s24 =	simm.s32 $0xF080  }
0xfe: {  	[hbm4b:s6+s3] =	stream.indirect_vreg.scatter [tilespmem:s24], [sflag:$0x7], $0x80, v3, vm0, $0xb8;
	[tilespmem:$0x12080] =	vst v63  }
0xff: {  	s9 =	simm.s32 $0xF880  }
0x100: {  	[hbm4b:s7+s3] =	stream.indirect_vreg.scatter [tilespmem:s9], [sflag:$0x7], $0x80, v3, vm0, $0xb8;
	[tilespmem:$0x12080] =	vst v63  }
0x101: {  	s25 =	simm.s32 $0x11080;
	s24 =	rddreg [dreg:$0xe]  }
0x102: {  	[hbm4b:s10+s2] =	stream.indirect.scatter [tilespmem:s25], [sflag:$0x9], $0x80, s24, s2, $0xb8;
	[tilespmem:$0x12080] =	vst v63  }
0x103: {  	_ =	swait.ge [sflag:s22], $0x8000  }
0x104: {  	[sflag:s22] =	ssyncset.done $0x0  }
0x105: {  	[sflag:s22] =	ssyncadd.s32 $0xFFFF8000  }
0x106: {  	_ =	swait.ge [sflag:s14], $0x1000  }
0x107: {  	[sflag:s14] =	ssyncset.done $0x0  }
0x108: {  	[sflag:s14] =	ssyncadd.s32 $0xFFFFF000  }
0x109: {  	p0 =	sne.s32 s19, $0x1;
	_ =	swait.ge [sflag:s0], $0x8000  }
.Ltmp0:
0x10a: {  	[sflag:s0] =	ssyncset.done $0x0;
	(pc) =	sbr.rel @p0 .LBB2_1-.Ltmp0, $4  }
0x10b: {  	[sflag:s0] =	ssyncadd.s32 $0xFFFF8000  }
0x10c: {  	_ =	swait.ge [sflag:s8], $0x1000  }
0x10d: {  	[sflag:s8] =	ssyncset.done $0x0  }
0x10e: {  	s19 =	sadd.s32 $0xFFFFFFFF, s19;
	[sflag:s8] =	ssyncadd.s32 $0xFFFFF000  }
0x10f: {  	_ =	sfence.sel $0x180000  }
0x110: {  	[bflag:$0x0] =	sbarrier.arrive $0xFFFF  }
0x111: {  	_ =	strace $0x90000047  }
0x112: {  	s0 =	stileid.u32;
	[bflag:$0x2] =	sbarrier.arrive $0xFFFF  }
0x113: {  	p0 =	sne.s32 s0, $0x0;
	s0 =	rddreg [dreg:$0x3]  }
0x114: {  	s0 =	sadd.s32 @!p0 $0x100000, s0  }
0x115: {  	[sflag:s0] =	ssyncadd.tile.s32 @!p0 $0x1;
	_ =	shalt  }
.Lfunc_end2:
_tile_overlayer_lowered:
.L_overlay_start_2:
0x116: {  	(tag) =	ssettag $0x2  }
0x117: {  	s0 =	rddreg [dreg:$0x0];
	s2 =	stileid.u32  }
0x118: {  	s1 =	rddreg [dreg:$0x1];
	p0 =	sne.s32 s2, $0x0  }
0x119: {  	s3 =	rddreg [dreg:$0x2];
	[bflag:$0x3] =	sbarrier.arrive $0xFFFF;
	s2 =	simm.s32 @!p0 $0x1C0A  }
0x11a: {  	[timem:s3], [sflag:s2] =	dma.local @!p0 [hbm:s0], s1  }
0x11b: {  	s0 =	simm.s32 @!p0 $0xA  }
0x11c: {  	_ =	swait.ge @!p0 [sflag:s0], s1  }
0x11d: {  	s1 =	ssub.s32 @!p0 $0x0, s1;
	[sflag:s0] =	ssyncset.done @!p0 $0x0  }
0x11e: {  	[sflag:s0] =	ssyncadd.s32 @!p0 s1  }
0x11f: {  	[bflag:$0x3] =	sbarrier.arrive $0xFFFF  }
0x120: {  	_ =	shalt  }

// kernel: kernel.9.cloned.1.call-start
scs
__scs_entry_jumppad:
0x0: {  	(pc) =	sbr.rel $0x88, $3  }
0x1: {  	(tag) =	ssettag $0x0;
	lr =	simm.s32 $0x1  }
0x2: {  	[smem:$0x3F9C] =	sst lr;
	_ =	strace $0xD0000000  }
0x3: {  	_ = 	snop  }
0x4: {  	_ = 	snop  }
0x5: {  	_ = 	snop  }
0x6: {  	_ = 	snop  }
0x7: {  	_ = 	snop  }
__scs_overlays_trampoline_lowered:
0x8: {  	[smem:$0x3FAB] =	sst s0  }
0x9: {  	[smem:$0x3FAC] =	sst s1  }
0xa: {  	[smem:$0x3FAD] =	sst s2  }
0xb: {  	[smem:$0x3FAE] =	sst s3  }
0xc: {  	[smem:$0x3FAF] =	sst s4  }
0xd: {  	[smem:$0x3FB0] =	sst s5  }
0xe: {  	[smem:$0x3FB1] =	sst s6  }
0xf: {  	[smem:$0x3FB2] =	sst s7  }
0x10: {  	[smem:$0x3FB3] =	sst s8  }
0x11: {  	[smem:$0x3FB4] =	sst s9;
	s0 =	simm.s32 @!p0 $0x0  }
0x12: {  	s1 =	sld [smem:$0x3F9A];
	s0 =	simm.s32 @p0 $0x1  }
0x13: {  	[smem:$0x3FB5] =	sst s0;
	s0 =	simm.s32 @!p1 $0x0  }
0x14: {  	s2 =	sld [smem:$0x3F99];
	s0 =	simm.s32 @p1 $0x1  }
0x15: {  	[smem:$0x3FB6] =	sst s0;
	s0 =	simm.s32 @!p2 $0x0  }
0x16: {  	s3 =	sld [smem:$0x3FDB];
	s0 =	simm.s32 @p2 $0x1  }
0x17: {  	s4 =	simm.s32 $0x1BF5;
	[smem:$0x3FB8] =	sst s0  }
0x18: {  	s0 =	sld [smem:$0x3F9B];
	_ =	swait.ge [sflag:s4], $0x0  }
0x19: {  	s7 =	sld [smem:$0x3F9C]  }
0x1a: {  	s8 =	sadd.s32 $0xFFFFE003, lr  }
0x1b: {  	s9 =	sadd.s32 $0xFFFFFEF7, lr;
	s5 =	simm.s32 $0xFFFFFFFF;
	p2 =	slt.u32 s8, $0xFFFFF086  }
0x1c: {  	p1 =	slt.u32 s9, $0xF7A;
	s5 =	simm.s32 @!p2 $0x0  }
0x1d: {  	s5 =	simm.s32 @p1 $0x1;
	p0 =	seq.s32 s7, s2  }
0x1e: {  	s7 =	smul.u32 @!p0 $0xF7A, s2;
	p2 =	seq.s32 @!p0 s5, $0x0  }
0x1f: {  	s9 =	smul.u32 $0xF7A, s1;
	s8 =	simm.s32 @!p0 $0x1BF5;
	p2 =	por !p2, p0  }
0x20: {  	[sflag:s8] =	ssyncset.s32 @!p0 $0xFFFFF086;
	s6 =	sadd.s32 @!p0 s3, s7;
	s7 =	simm.s32 @!p0 $0x108  }
0x21: {  	s3 =	sadd.s32 s3, s9;
	s6 =	sadd.s32 @!p0 $0x88, s6;
	s7 =	simm.s32 @p2 $0x1082  }
0x22: {  	[simem:s7], [sflag:s8] =	dma.local @!p0 [hbm:s6], $0xF7A  }
0x23: {  	s9 =	sor.u32 $0xD0000000, s2;
	s6 =	simm.s32 $0x108;
	_ =	swait.ge @!p0 [sflag:s8], $0x0  }
0x24: {  	s3 =	sadd.s32 $0x88, s3;
	s6 =	simm.s32 @!p1 $0x1082;
	[sflag:s4] =	ssyncset.s32 $0xFFFFF086  }
0x25: {  	[simem:s6], [sflag:s4] =	dma.local [hbm:s3], $0xF7A  }
0x26: {  	[smem:$0x3F9C] =	sst s1;
	(tag) =	ssettag s2;
	_ =	strace s9  }
0x27: {  	s1 =	sld [smem:$0x3FAC]  }
0x28: {  	s2 =	sld [smem:$0x3FAD]  }
0x29: {  	s4 =	sld [smem:$0x3FAF]  }
0x2a: {  	p0 =	seq.s32 s5, $0x0;
	s5 =	sld [smem:$0x3FB0]  }
0x2b: {  	s6 =	sld [smem:$0x3FB1]  }
0x2c: {  	s7 =	sld [smem:$0x3FB2]  }
0x2d: {  	s3 =	simm.s32 $0x108;
	s8 =	sld [smem:$0x3FB3]  }
0x2e: {  	s3 =	simm.s32 @!p0 $0x1082;
	s9 =	sld [smem:$0x3FB4]  }
0x2f: {  	lr =	sadd.s32 s0, s3;
	s0 =	sld [smem:$0x3FAB]  }
0x30: {  	s3 =	sld [smem:$0x3FAE]  }
0x31: {  	[smem:$0x3FB7] =	sst s10  }
0x32: {  	s10 =	sld [smem:$0x3FB5];
	_ =	sdelay $0x3  }
0x33: {  	p0 =	seq.s32 s10, $0x1;
	s10 =	sld [smem:$0x3FB7];
	_ =	sdelay $0x3  }
0x34: {  	[smem:$0x3FB7] =	sst s10  }
0x35: {  	s10 =	sld [smem:$0x3FB6];
	_ =	sdelay $0x3  }
0x36: {  	p1 =	seq.s32 s10, $0x1;
	s10 =	sld [smem:$0x3FB7];
	_ =	sdelay $0x3  }
0x37: {  	[smem:$0x3FB7] =	sst s10  }
0x38: {  	s10 =	sld [smem:$0x3FB8]  }
0x39: {  	_ = 	snop;
	(pc) =	sbr.ind lr, $3  }
0x3a: {  	_ = 	snop  }
0x3b: {  	_ = 	snop  }
0x3c: {  	p2 =	seq.s32 s10, $0x1;
	s10 =	sld [smem:$0x3FB7]  }
0x3d: {  	_ =	shalt  }
0x3e: {  	_ =	shalt  }
0x3f: {  	_ =	shalt  }
0x40: {  	_ =	shalt  }
0x41: {  	_ =	shalt  }
0x42: {  	_ =	shalt  }
0x43: {  	_ =	shalt  }
0x44: {  	_ =	shalt  }
0x45: {  	_ =	shalt  }
0x46: {  	_ =	shalt  }
0x47: {  	_ =	shalt  }
0x48: {  	_ =	shalt  }
0x49: {  	_ =	shalt  }
0x4a: {  	_ =	shalt  }
0x4b: {  	_ =	shalt  }
0x4c: {  	_ =	shalt  }
0x4d: {  	_ =	shalt  }
0x4e: {  	_ =	shalt  }
0x4f: {  	_ =	shalt  }
0x50: {  	_ =	shalt  }
0x51: {  	_ =	shalt  }
0x52: {  	_ =	shalt  }
0x53: {  	_ =	shalt  }
0x54: {  	_ =	shalt  }
0x55: {  	_ =	shalt  }
0x56: {  	_ =	shalt  }
0x57: {  	_ =	shalt  }
0x58: {  	_ =	shalt  }
0x59: {  	_ =	shalt  }
0x5a: {  	_ =	shalt  }
0x5b: {  	_ =	shalt  }
0x5c: {  	_ =	shalt  }
0x5d: {  	_ =	shalt  }
0x5e: {  	_ =	shalt  }
0x5f: {  	_ =	shalt  }
0x60: {  	_ =	shalt  }
0x61: {  	_ =	shalt  }
0x62: {  	_ =	shalt  }
0x63: {  	_ =	shalt  }
0x64: {  	_ =	shalt  }
0x65: {  	_ =	shalt  }
0x66: {  	_ =	shalt  }
0x67: {  	_ =	shalt  }
0x68: {  	_ =	shalt  }
0x69: {  	_ =	shalt  }
0x6a: {  	_ =	shalt  }
0x6b: {  	_ =	shalt  }
0x6c: {  	_ =	shalt  }
0x6d: {  	_ =	shalt  }
0x6e: {  	_ =	shalt  }
0x6f: {  	_ =	shalt  }
0x70: {  	_ =	shalt  }
0x71: {  	_ =	shalt  }
0x72: {  	_ =	shalt  }
0x73: {  	_ =	shalt  }
0x74: {  	_ =	shalt  }
0x75: {  	_ =	shalt  }
0x76: {  	_ =	shalt  }
0x77: {  	_ =	shalt  }
0x78: {  	_ =	shalt  }
0x79: {  	_ =	shalt  }
0x7a: {  	_ =	shalt  }
0x7b: {  	_ =	shalt  }
0x7c: {  	_ =	shalt  }
0x7d: {  	_ =	shalt  }
0x7e: {  	_ =	shalt  }
0x7f: {  	_ =	shalt  }
0x80: {  	_ =	shalt  }
0x81: {  	_ =	shalt  }
0x82: {  	_ =	shalt  }
0x83: {  	_ =	shalt  }
0x84: {  	_ =	shalt  }
0x85: {  	_ =	shalt  }
0x86: {  	_ =	shalt  }
0x87: {  	_ =	shalt  }
.Lfunc_end0:
.L_simem_size_0:
called_computation.1_lowered:
.L_overlay_start_0:
0x88: {  	s2 =	sld [smem:$0x3FD9]  }
0x89: {  	s3 =	sld [smem:$0x3FFE];
	_ =	sdelay $0x1  }
0x8a: {  	s1 =	srdreg.scid  }
0x8b: {  	s0 =	sand.u32 $0x1, s1  }
0x8c: {  	s14 =	sshll.u32 s0, $0xA;
	s2 =	sadd.s32 s3, s2  }
0x8d: {  	s2 =	sadd.s32 s2, s14  }
0x8e: {  	[smem:$0x3FC3] =	sst s2  }
0x8f: {  	_ = 	snop  }
0x90: {  	s2 =	sld [smem:$0x3FD0];
	_ =	sdelay $0x2  }
0x91: {  	s15 =	simm.s32 $0xA;
	s4 =	simm.s32 $0x10  }
0x92: {  	[smem:s4], [sflag:s15] =	dma.local [hbm:s2], $0x1  }
0x93: {  	_ =	swait.eq [sflag:s15], $0x1  }
0x94: {  	[sflag:s15] =	ssyncset.done $0x0  }
0x95: {  	[sflag:s15] =	ssyncadd.s32 $0xFFFFFFFF  }
0x96: {  	s16 =	sld [smem:$0x10];
	(tm) =	ssettm $0x1  }
0x97: {  	s17 =	sld [smem:$0x3FFB];
	_ =	sdelay $0x3  }
0x98: {  	_ =	strace s17  }
0x99: {  	s3 =	sld [smem:$0x3FFC];
	_ =	sdelay $0x3  }
0x9a: {  	_ =	strace s3  }
0x9b: {  	s3 =	sld [smem:$0x3FFD];
	_ =	sdelay $0x3  }
0x9c: {  	_ =	strace s3  }
0x9d: {  	_ =	strace $0x8FFFFFFF  }
0x9e: {  	s18 =	sld [smem:$0x3FDB];
	_ =	sdelay $0x1  }
0x9f: {  	s19 =	simm.s32 $_scs_section_size  }
0xa0: {  	s5 =	simm.s32 $_size__tile_overlayer_lowered;
	s6 =	simm.s32 $_tile_overlayer_lowered  }
0xa1: {  	s22 =	simm.s32 $0x1BFF;
	s21 =	sshll.u32 s6, $0x1;
	s3 =	sadd.s32 s19, s18  }
0xa2: {  	s7 =	simm.s32 $0x0;
	s20 =	sshll.u32 s5, $0x1;
	s5 =	sadd.s32 s21, s3  }
0xa3: {  	[timem:s7], [sflag:s22] =	dma.local [hbm:s5], s20  }
0xa4: {  	_ =	swait.ge [sflag:s22], s20  }
0xa5: {  	s4 =	ssub.s32 $0x0, s20;
	[sflag:s22] =	ssyncset.done $0x0  }
0xa6: {  	[sflag:s22] =	ssyncadd.s32 s4;
	_ =	sdelay $0x1  }
0xa7: {  	s23 =	simm.s32 $0x1B8B  }
0xa8: {  	_ =	swait.ge [sflag:s23], $0x1  }
0xa9: {  	[sflag:s23] =	ssyncset.done $0x0  }
0xaa: {  	s25 =	simm.s32 $0x1B8E;
	s24 =	sld [smem:$0x3FFE];
	[sflag:s23] =	ssyncadd.s32 $0xFFFFFFFF  }
0xab: {  	s26 =	simm.s32 $execute0_lowered;
	[smem:$0x3FD2] =	sst s25  }
0xac: {  	s5 =	sshll.u32 s26, $0x1;
	_ =	strace $0x80000049;
	[dreg:$0x1] =	wrdreg $0xFFFFFFFF  }
0xad: {  	s28 =	simm.s32 $_size_execute0_lowered;
	s3 =	sadd.s32 s3, s5;
	[dreg:$0x0] =	wrdreg $0x0  }
0xae: {  	s5 =	sshll.u32 s28, $0x1;
	[dreg:$0x2] =	wrdreg s3  }
0xaf: {  	[dreg:$0x3] =	wrdreg s5  }
0xb0: {  	[dreg:$0x4] =	wrdreg $0xC0  }
0xb1: {  	_ =	task [dreg:s7], $0x5FFFF  }
0xb2: {  	[dreg:$0x1] =	wrdreg $0xFFFFFFFF  }
0xb3: {  	[dreg:$0x0] =	wrdreg $0x60  }
0xb4: {  	[dreg:$0x2] =	wrdreg s24  }
0xb5: {  	[dreg:$0x3] =	wrdreg s16  }
0xb6: {  	[dreg:$0x4] =	wrdreg $0x9  }
0xb7: {  	_ =	task.clear_ibuf [dreg:s7], $0x5FFFF;
	_ =	strace $0x90000049  }
0xb8: {  	s29 =	simm.s32 $0x9;
	_ =	strace $0x8000004B  }
0xb9: {  	_ =	swait.ge [sflag:s29], $0x1  }
0xba: {  	[sflag:s29] =	ssyncadd.s32 $0xFFFFFFFF  }
0xbb: {  	_ =	strace $0x9000004B  }
0xbc: {  	_ =	sfence  }
0xbd: {  	s30 =	sld [smem:$0x0];
	_ =	sdelay $0x2  }
0xbe: {  	s31 =	sshll.u32 s1, $0xD;
	s1 =	sshrl.u32 s1, $0x2  }
0xbf: {  	s3 =	sand.u32 $0x4000, s31;
	s1 =	sadd.s32 s1, s30  }
0xc0: {  	s0 =	sor.u32 s3, s0;
	s1 =	sshll.u32 s1, $0x11  }
0xc1: {  	s0 =	sor.u32 s1, s0  }
0xc2: {  	s0 =	sadd.s32 $0x8F2B, s0  }
0xc3: {  	[sflag:s0] =	ssyncadd.remote.s32 $0x1  }
0xc4: {  	_ =	sfence.sel $0xFFFF  }
0xc5: {  	[dreg:$0x0] =	wrdreg $0xFFFFFFFF;
	(pc) =	sbr.abs _section_cstart, $3  }
0xc6: {  	[dreg:$0x1] =	wrdreg $0xFFFFFFFF  }
0xc7: {  	_ =	task.clear_ibuf [dreg:s7], $0x2FFFF;
	_ =	strace $0x9FFFFFFF  }
0xc8: {  	(tm) =	ssettm $0x7FFFFFFF  }
0xc9: {  	_ =	shalt  }
tec
execute0_lowered:
.L_overlay_start_1:
0x0: {  	(tag) =	ssettag $0x1  }
0x1: {  	s0 =	rddreg [dreg:$0x0]  }
0x2: {  	s1 =	rddreg [dreg:$0x1];
	s3 =	srdreg.scid  }
0x3: {  	s2 =	simm.s32 $0x0;
	s5 =	stileid.u32;
	s9 =	simm.s32 $0x2  }
0x4: {  	s21 =	simm.s32 $0x4;
	s22 =	simm.s32 $0x5;
	s28 =	simm.s32 $0x1880  }
0x5: {  	s29 =	simm.s32 $0x2080;
	s30 =	simm.s32 $0x2880;
	s31 =	simm.s32 $0x3080  }
0x6: {  	s11 =	simm.s32 $0x4880;
	s12 =	simm.s32 $0x5080;
	s13 =	simm.s32 $0x5880  }
0x7: {  	s14 =	simm.s32 $0x6080;
	s15 =	simm.s32 $0x6880;
	s16 =	simm.s32 $0x7080  }
0x8: {  	s17 =	simm.s32 $0x7880;
	s20 =	simm.s32 $0x8080;
	s18 =	simm.s32 $0x8880  }
0x9: {  	s19 =	simm.s32 $0x9080;
	s4 =	sand.u32 $0x1, s3;
	[smem:$0x7FF] =	sst s2  }
0xa: {  	s23 =	sshll.u32 s5, $0x8;
	s3 =	sadd.s32 $0x101E00, s0;
	s24 =	sshll.u32 s4, $0x7  }
0xb: {  	_ =	strace $0x8000004A;
	s4 =	ssub.s32 $0x2, s4;
	s5 =	sor.u32 s24, s23  }
0xc: {  	s7 =	sshrl.u32 s4, $0x1;
	s6 =	sshrl.u32 s5, $0x3;
	s5 =	sshll.u32 s5, $0x7  }
0xd: {  	s24 =	simm.s32 $0x880;
	s6 =	sadd.s32 s6, s0;
	s8 =	sadd.s32 s1, s5  }
0xe: {  	s4 =	ssub.s32 s4, s7;
	s6 =	sadd.s32 $0x11C00, s6;
	[dreg:$0x7] =	wrdreg s8  }
0xf: {  	s7 =	sadd.s32 $0x102100, s0;
	s1 =	sadd.s32 $0x1000, s8;
	[dreg:$0x3] =	wrdreg s6  }
0x10: {  	s5 =	sadd.s32 $0x101F00, s0;
	s25 =	sadd.s32 $0x2000, s8;
	[dreg:$0x4] =	wrdreg s1  }
0x11: {  	v2 =	vlaneseq.u32;
	s26 =	sadd.s32 $0x3000, s8;
	s8 =	smax.u32 s4, $0x1;
	[dreg:$0x5] =	wrdreg s25  }
0x12: {  	vm0 =	vmmov $0xffff;
	v1 =	vshrl.u32 v2, $0x3;
	s4 =	simm.s32 $0x3;
	s6 =	sadd.s32 $0x102000, s0;
	[dreg:$0x6] =	wrdreg s26  }
0x13: {  	v0 =	vand.u32 $0x7, v2;
	v2 =	vor.u32 $0x8, v2;
	v1 =	vmul.u32 $0x8, v1;
	s26 =	simm.s32 $0x80;
	s25 =	simm.s32 $0x1080;
	s1 =	simm.s32 $0x4080  }
.LBB2_1:
0x14: {  	s23 =	rddreg [dreg:$0x3];
	s0 =	simm.s32 $0x1  }
0x15: {  	[tilespmem:s2], [sflag:$0x1] =	stream.linear.gather [hbm4b:s23+s2], $0x80, $0x38;
	[tilespmem:$0x10080] =	vst v63  }
0x16: {  	_ =	swait.ge [sflag:s0], $0x80  }
0x17: {  	[sflag:s0] =	ssyncset.done $0x0  }
0x18: {  	[sflag:s0] =	ssyncadd.s32 $0xFFFFFF80  }
0x19: {  	v3 =	vld [tilespmem:$0x0];
	_ =	sdelay $0x4  }
0x1a: {  	v4 =	vshll.u32 v3, $0x3  }
0x1b: {  	v3 =	vand.u32 $0x7, v3;
	v4 =	vand.u32 $0xFFFFFFC0, v4  }
0x1c: {  	v3 =	vor.u32 v3, v4  }
0x1d: {  	v4 =	vperm.xlane v3, v0;
	_ =	sdelay $0x1  }
0x1e: {  	v4 =	vadd.s32 v1, v4;
	_ =	sdelay $0x4  }
0x1f: {  	[tilespmem:s26], [sflag:$0x2] =	stream.indirect_vreg.gather [hbm4b:s3+s2], $0x80, v4, vm0, $0xb8;
	[tilespmem:$0x10080] =	vst v63  }
0x20: {  	v3 =	vperm.xlane v3, v2  }
0x21: {  	[tilespmem:s24], [sflag:$0x2] =	stream.indirect_vreg.gather [hbm4b:s5+s2], $0x80, v4, vm0, $0xb8;
	[tilespmem:$0x10080] =	vst v63  }
0x22: {  	v3 =	vadd.s32 v1, v3  }
0x23: {  	[tilespmem:s25], [sflag:$0x2] =	stream.indirect_vreg.gather [hbm4b:s6+s2], $0x80, v4, vm0, $0xb8;
	[tilespmem:$0x10080] =	vst v63  }
0x24: {  	_ = 	snop  }
0x25: {  	[tilespmem:s28], [sflag:$0x2] =	stream.indirect_vreg.gather [hbm4b:s7+s2], $0x80, v4, vm0, $0xb8;
	[tilespmem:$0x10080] =	vst v63  }
0x26: {  	_ = 	snop  }
0x27: {  	[tilespmem:s29], [sflag:$0x2] =	stream.indirect_vreg.gather [hbm4b:s3+s2], $0x80, v3, vm0, $0xb8;
	[tilespmem:$0x10080] =	vst v63  }
0x28: {  	_ = 	snop  }
0x29: {  	[tilespmem:s30], [sflag:$0x2] =	stream.indirect_vreg.gather [hbm4b:s5+s2], $0x80, v3, vm0, $0xb8;
	[tilespmem:$0x10080] =	vst v63  }
0x2a: {  	_ = 	snop  }
0x2b: {  	[tilespmem:s31], [sflag:$0x2] =	stream.indirect_vreg.gather [hbm4b:s6+s2], $0x80, v3, vm0, $0xb8;
	[tilespmem:$0x10080] =	vst v63  }
0x2c: {  	s0 =	simm.s32 $0x3880  }
0x2d: {  	[tilespmem:s0], [sflag:$0x2] =	stream.indirect_vreg.gather [hbm4b:s7+s2], $0x80, v3, vm0, $0xb8;
	[tilespmem:$0x10080] =	vst v63  }
0x2e: {  	v3 =	vld [tilespmem:$0x10];
	_ =	sdelay $0x4  }
0x2f: {  	v57 =	vshll.u32 v3, $0x3  }
0x30: {  	v3 =	vand.u32 $0x7, v3;
	v4 =	vand.u32 $0xFFFFFFC0, v57  }
0x31: {  	v3 =	vor.u32 v3, v4  }
0x32: {  	v4 =	vperm.xlane v3, v0;
	_ =	sdelay $0x1  }
0x33: {  	v4 =	vadd.s32 v1, v4;
	_ =	sdelay $0x4  }
0x34: {  	[tilespmem:s1], [sflag:$0x2] =	stream.indirect_vreg.gather [hbm4b:s3+s2], $0x80, v4, vm0, $0xb8;
	[tilespmem:$0x10080] =	vst v63  }
0x35: {  	v3 =	vperm.xlane v3, v2  }
0x36: {  	[tilespmem:s11], [sflag:$0x2] =	stream.indirect_vreg.gather [hbm4b:s5+s2], $0x80, v4, vm0, $0xb8;
	[tilespmem:$0x10080] =	vst v63  }
0x37: {  	v3 =	vadd.s32 v1, v3  }
0x38: {  	[tilespmem:s12], [sflag:$0x2] =	stream.indirect_vreg.gather [hbm4b:s6+s2], $0x80, v4, vm0, $0xb8;
	[tilespmem:$0x10080] =	vst v63  }
0x39: {  	_ = 	snop  }
0x3a: {  	[tilespmem:s13], [sflag:$0x2] =	stream.indirect_vreg.gather [hbm4b:s7+s2], $0x80, v4, vm0, $0xb8;
	[tilespmem:$0x10080] =	vst v63  }
0x3b: {  	_ = 	snop  }
0x3c: {  	[tilespmem:s14], [sflag:$0x2] =	stream.indirect_vreg.gather [hbm4b:s3+s2], $0x80, v3, vm0, $0xb8;
	[tilespmem:$0x10080] =	vst v63  }
0x3d: {  	_ = 	snop  }
0x3e: {  	[tilespmem:s15], [sflag:$0x2] =	stream.indirect_vreg.gather [hbm4b:s5+s2], $0x80, v3, vm0, $0xb8;
	[tilespmem:$0x10080] =	vst v63  }
0x3f: {  	_ = 	snop  }
0x40: {  	[tilespmem:s16], [sflag:$0x2] =	stream.indirect_vreg.gather [hbm4b:s6+s2], $0x80, v3, vm0, $0xb8;
	[tilespmem:$0x10080] =	vst v63  }
0x41: {  	_ = 	snop  }
0x42: {  	[tilespmem:s17], [sflag:$0x2] =	stream.indirect_vreg.gather [hbm4b:s7+s2], $0x80, v3, vm0, $0xb8;
	[tilespmem:$0x10080] =	vst v63  }
0x43: {  	v3 =	vld [tilespmem:$0x20];
	_ =	sdelay $0x4  }
0x44: {  	v58 =	vshll.u32 v3, $0x3  }
0x45: {  	v3 =	vand.u32 $0x7, v3;
	v4 =	vand.u32 $0xFFFFFFC0, v58  }
0x46: {  	v3 =	vor.u32 v3, v4  }
0x47: {  	v4 =	vperm.xlane v3, v0;
	_ =	sdelay $0x1  }
0x48: {  	v4 =	vadd.s32 v1, v4;
	_ =	sdelay $0x4  }
0x49: {  	[tilespmem:s20], [sflag:$0x3] =	stream.indirect_vreg.gather [hbm4b:s3+s2], $0x80, v4, vm0, $0xb8;
	[tilespmem:$0x10080] =	vst v63  }
0x4a: {  	v3 =	vperm.xlane v3, v2  }
0x4b: {  	[tilespmem:s18], [sflag:$0x3] =	stream.indirect_vreg.gather [hbm4b:s5+s2], $0x80, v4, vm0, $0xb8;
	[tilespmem:$0x10080] =	vst v63  }
0x4c: {  	v3 =	vadd.s32 v1, v3  }
0x4d: {  	[tilespmem:s19], [sflag:$0x3] =	stream.indirect_vreg.gather [hbm4b:s6+s2], $0x80, v4, vm0, $0xb8;
	[tilespmem:$0x10080] =	vst v63  }
0x4e: {  	s10 =	simm.s32 $0x9880  }
0x4f: {  	[tilespmem:s10], [sflag:$0x3] =	stream.indirect_vreg.gather [hbm4b:s7+s2], $0x80, v4, vm0, $0xb8;
	[tilespmem:$0x10080] =	vst v63  }
0x50: {  	s10 =	simm.s32 $0xA080  }
0x51: {  	[tilespmem:s10], [sflag:$0x3] =	stream.indirect_vreg.gather [hbm4b:s3+s2], $0x80, v3, vm0, $0xb8;
	[tilespmem:$0x10080] =	vst v63  }
0x52: {  	s23 =	simm.s32 $0xA880  }
0x53: {  	[tilespmem:s23], [sflag:$0x3] =	stream.indirect_vreg.gather [hbm4b:s5+s2], $0x80, v3, vm0, $0xb8;
	[tilespmem:$0x10080] =	vst v63  }
0x54: {  	s23 =	simm.s32 $0xB080  }
0x55: {  	[tilespmem:s23], [sflag:$0x3] =	stream.indirect_vreg.gather [hbm4b:s6+s2], $0x80, v3, vm0, $0xb8;
	[tilespmem:$0x10080] =	vst v63  }
0x56: {  	s23 =	simm.s32 $0xB880  }
0x57: {  	[tilespmem:s23], [sflag:$0x3] =	stream.indirect_vreg.gather [hbm4b:s7+s2], $0x80, v3, vm0, $0xb8;
	[tilespmem:$0x10080] =	vst v63  }
0x58: {  	v3 =	vld [tilespmem:$0x30];
	_ =	sdelay $0x4  }
0x59: {  	v59 =	vshll.u32 v3, $0x3  }
0x5a: {  	v3 =	vand.u32 $0x7, v3;
	v4 =	vand.u32 $0xFFFFFFC0, v59  }
0x5b: {  	v3 =	vor.u32 v3, v4  }
0x5c: {  	v4 =	vperm.xlane v3, v0;
	_ =	sdelay $0x1  }
0x5d: {  	v4 =	vadd.s32 v1, v4;
	_ =	sdelay $0x3  }
0x5e: {  	s23 =	simm.s32 $0xC080  }
0x5f: {  	[tilespmem:s23], [sflag:$0x3] =	stream.indirect_vreg.gather [hbm4b:s3+s2], $0x80, v4, vm0, $0xb8;
	[tilespmem:$0x10080] =	vst v63  }
0x60: {  	v3 =	vperm.xlane v3, v2;
	s23 =	simm.s32 $0xC880  }
0x61: {  	[tilespmem:s23], [sflag:$0x3] =	stream.indirect_vreg.gather [hbm4b:s5+s2], $0x80, v4, vm0, $0xb8;
	[tilespmem:$0x10080] =	vst v63  }
0x62: {  	v3 =	vadd.s32 v1, v3;
	s23 =	simm.s32 $0xD080  }
0x63: {  	[tilespmem:s23], [sflag:$0x3] =	stream.indirect_vreg.gather [hbm4b:s6+s2], $0x80, v4, vm0, $0xb8;
	[tilespmem:$0x10080] =	vst v63  }
0x64: {  	s23 =	simm.s32 $0xD880  }
0x65: {  	[tilespmem:s23], [sflag:$0x3] =	stream.indirect_vreg.gather [hbm4b:s7+s2], $0x80, v4, vm0, $0xb8;
	[tilespmem:$0x10080] =	vst v63  }
0x66: {  	s23 =	simm.s32 $0xE080  }
0x67: {  	[tilespmem:s23], [sflag:$0x3] =	stream.indirect_vreg.gather [hbm4b:s3+s2], $0x80, v3, vm0, $0xb8;
	[tilespmem:$0x10080] =	vst v63  }
0x68: {  	s23 =	simm.s32 $0xE880  }
0x69: {  	[tilespmem:s23], [sflag:$0x3] =	stream.indirect_vreg.gather [hbm4b:s5+s2], $0x80, v3, vm0, $0xb8;
	[tilespmem:$0x10080] =	vst v63  }
0x6a: {  	s23 =	simm.s32 $0xF080  }
0x6b: {  	[tilespmem:s23], [sflag:$0x3] =	stream.indirect_vreg.gather [hbm4b:s6+s2], $0x80, v3, vm0, $0xb8;
	[tilespmem:$0x10080] =	vst v63  }
0x6c: {  	s23 =	simm.s32 $0xF880  }
0x6d: {  	[tilespmem:s23], [sflag:$0x3] =	stream.indirect_vreg.gather [hbm4b:s7+s2], $0x80, v3, vm0, $0xb8;
	[tilespmem:$0x10080] =	vst v63  }
0x6e: {  	_ =	swait.ge [sflag:s9], $0x8000  }
0x6f: {  	[sflag:s9] =	ssyncset.done $0x0  }
0x70: {  	s23 =	rddreg [dreg:$0x7];
	[sflag:s9] =	ssyncadd.s32 $0xFFFF8000  }
0x71: {  	[hbm4b:s23+s2] =	stream.linear.scatter [tilespmem:s26], [sflag:$0x4], $0x8000, $0x38;
	[tilespmem:$0x10080] =	vst v63  }
0x72: {  	_ =	swait.ge [sflag:s21], $0x8000  }
0x73: {  	[sflag:s21] =	ssyncset.done $0x0  }
0x74: {  	[sflag:s21] =	ssyncadd.s32 $0xFFFF8000  }
0x75: {  	v3 =	vld [tilespmem:$0x40];
	_ =	sdelay $0x4  }
0x76: {  	v60 =	vshll.u32 v3, $0x3  }
0x77: {  	v3 =	vand.u32 $0x7, v3;
	v4 =	vand.u32 $0xFFFFFFC0, v60  }
0x78: {  	v3 =	vor.u32 v3, v4  }
0x79: {  	v4 =	vperm.xlane v3, v0;
	_ =	sdelay $0x1  }
0x7a: {  	v4 =	vadd.s32 v1, v4;
	_ =	sdelay $0x4  }
0x7b: {  	[tilespmem:s26], [sflag:$0x2] =	stream.indirect_vreg.gather [hbm4b:s3+s2], $0x80, v4, vm0, $0xb8;
	[tilespmem:$0x10080] =	vst v63  }
0x7c: {  	v3 =	vperm.xlane v3, v2  }
0x7d: {  	[tilespmem:s24], [sflag:$0x2] =	stream.indirect_vreg.gather [hbm4b:s5+s2], $0x80, v4, vm0, $0xb8;
	[tilespmem:$0x10080] =	vst v63  }
0x7e: {  	v3 =	vadd.s32 v1, v3  }
0x7f: {  	[tilespmem:s25], [sflag:$0x2] =	stream.indirect_vreg.gather [hbm4b:s6+s2], $0x80, v4, vm0, $0xb8;
	[tilespmem:$0x10080] =	vst v63  }
0x80: {  	_ = 	snop  }
0x81: {  	[tilespmem:s28], [sflag:$0x2] =	stream.indirect_vreg.gather [hbm4b:s7+s2], $0x80, v4, vm0, $0xb8;
	[tilespmem:$0x10080] =	vst v63  }
0x82: {  	_ = 	snop  }
0x83: {  	[tilespmem:s29], [sflag:$0x2] =	stream.indirect_vreg.gather [hbm4b:s3+s2], $0x80, v3, vm0, $0xb8;
	[tilespmem:$0x10080] =	vst v63  }
0x84: {  	_ = 	snop  }
0x85: {  	[tilespmem:s30], [sflag:$0x2] =	stream.indirect_vreg.gather [hbm4b:s5+s2], $0x80, v3, vm0, $0xb8;
	[tilespmem:$0x10080] =	vst v63  }
0x86: {  	_ = 	snop  }
0x87: {  	[tilespmem:s31], [sflag:$0x2] =	stream.indirect_vreg.gather [hbm4b:s6+s2], $0x80, v3, vm0, $0xb8;
	[tilespmem:$0x10080] =	vst v63  }
0x88: {  	_ = 	snop  }
0x89: {  	[tilespmem:s0], [sflag:$0x2] =	stream.indirect_vreg.gather [hbm4b:s7+s2], $0x80, v3, vm0, $0xb8;
	[tilespmem:$0x10080] =	vst v63  }
0x8a: {  	v3 =	vld [tilespmem:$0x50];
	_ =	sdelay $0x4  }
0x8b: {  	v61 =	vshll.u32 v3, $0x3  }
0x8c: {  	v3 =	vand.u32 $0x7, v3;
	v4 =	vand.u32 $0xFFFFFFC0, v61  }
0x8d: {  	v3 =	vor.u32 v3, v4  }
0x8e: {  	v4 =	vperm.xlane v3, v0;
	_ =	sdelay $0x1  }
0x8f: {  	v4 =	vadd.s32 v1, v4;
	_ =	sdelay $0x4  }
0x90: {  	[tilespmem:s1], [sflag:$0x2] =	stream.indirect_vreg.gather [hbm4b:s3+s2], $0x80, v4, vm0, $0xb8;
	[tilespmem:$0x10080] =	vst v63  }
0x91: {  	v3 =	vperm.xlane v3, v2  }
0x92: {  	[tilespmem:s11], [sflag:$0x2] =	stream.indirect_vreg.gather [hbm4b:s5+s2], $0x80, v4, vm0, $0xb8;
	[tilespmem:$0x10080] =	vst v63  }
0x93: {  	v3 =	vadd.s32 v1, v3  }
0x94: {  	[tilespmem:s12], [sflag:$0x2] =	stream.indirect_vreg.gather [hbm4b:s6+s2], $0x80, v4, vm0, $0xb8;
	[tilespmem:$0x10080] =	vst v63  }
0x95: {  	_ = 	snop  }
0x96: {  	[tilespmem:s13], [sflag:$0x2] =	stream.indirect_vreg.gather [hbm4b:s7+s2], $0x80, v4, vm0, $0xb8;
	[tilespmem:$0x10080] =	vst v63  }
0x97: {  	_ = 	snop  }
0x98: {  	[tilespmem:s14], [sflag:$0x2] =	stream.indirect_vreg.gather [hbm4b:s3+s2], $0x80, v3, vm0, $0xb8;
	[tilespmem:$0x10080] =	vst v63  }
0x99: {  	_ = 	snop  }
0x9a: {  	[tilespmem:s15], [sflag:$0x2] =	stream.indirect_vreg.gather [hbm4b:s5+s2], $0x80, v3, vm0, $0xb8;
	[tilespmem:$0x10080] =	vst v63  }
0x9b: {  	_ = 	snop  }
0x9c: {  	[tilespmem:s16], [sflag:$0x2] =	stream.indirect_vreg.gather [hbm4b:s6+s2], $0x80, v3, vm0, $0xb8;
	[tilespmem:$0x10080] =	vst v63  }
0x9d: {  	_ = 	snop  }
0x9e: {  	[tilespmem:s17], [sflag:$0x2] =	stream.indirect_vreg.gather [hbm4b:s7+s2], $0x80, v3, vm0, $0xb8;
	[tilespmem:$0x10080] =	vst v63  }
0x9f: {  	_ =	swait.ge [sflag:s4], $0x8000  }
0xa0: {  	[sflag:s4] =	ssyncset.done $0x0  }
0xa1: {  	s0 =	rddreg [dreg:$0x4];
	[sflag:s4] =	ssyncadd.s32 $0xFFFF8000  }
0xa2: {  	[hbm4b:s0+s2] =	stream.linear.scatter [tilespmem:s20], [sflag:$0x5], $0x8000, $0x38;
	[tilespmem:$0x10080] =	vst v63  }
0xa3: {  	_ =	swait.ge [sflag:s22], $0x8000  }
0xa4: {  	[sflag:s22] =	ssyncset.done $0x0  }
0xa5: {  	[sflag:s22] =	ssyncadd.s32 $0xFFFF8000  }
0xa6: {  	v3 =	vld [tilespmem:$0x60];
	_ =	sdelay $0x4  }
0xa7: {  	v62 =	vshll.u32 v3, $0x3  }
0xa8: {  	v3 =	vand.u32 $0x7, v3;
	v4 =	vand.u32 $0xFFFFFFC0, v62  }
0xa9: {  	v3 =	vor.u32 v3, v4  }
0xaa: {  	v4 =	vperm.xlane v3, v0;
	_ =	sdelay $0x1  }
0xab: {  	v4 =	vadd.s32 v1, v4;
	_ =	sdelay $0x4  }
0xac: {  	[tilespmem:s20], [sflag:$0x3] =	stream.indirect_vreg.gather [hbm4b:s3+s2], $0x80, v4, vm0, $0xb8;
	[tilespmem:$0x10080] =	vst v63  }
0xad: {  	v3 =	vperm.xlane v3, v2  }
0xae: {  	[tilespmem:s18], [sflag:$0x3] =	stream.indirect_vreg.gather [hbm4b:s5+s2], $0x80, v4, vm0, $0xb8;
	[tilespmem:$0x10080] =	vst v63  }
0xaf: {  	v3 =	vadd.s32 v1, v3  }
0xb0: {  	[tilespmem:s19], [sflag:$0x3] =	stream.indirect_vreg.gather [hbm4b:s6+s2], $0x80, v4, vm0, $0xb8;
	[tilespmem:$0x10080] =	vst v63  }
0xb1: {  	s23 =	simm.s32 $0x9880  }
0xb2: {  	[tilespmem:s23], [sflag:$0x3] =	stream.indirect_vreg.gather [hbm4b:s7+s2], $0x80, v4, vm0, $0xb8;
	[tilespmem:$0x10080] =	vst v63  }
0xb3: {  	_ = 	snop  }
0xb4: {  	[tilespmem:s10], [sflag:$0x3] =	stream.indirect_vreg.gather [hbm4b:s3+s2], $0x80, v3, vm0, $0xb8;
	[tilespmem:$0x10080] =	vst v63  }
0xb5: {  	s23 =	simm.s32 $0xA880  }
0xb6: {  	[tilespmem:s23], [sflag:$0x3] =	stream.indirect_vreg.gather [hbm4b:s5+s2], $0x80, v3, vm0, $0xb8;
	[tilespmem:$0x10080] =	vst v63  }
0xb7: {  	s10 =	simm.s32 $0xB080  }
0xb8: {  	[tilespmem:s10], [sflag:$0x3] =	stream.indirect_vreg.gather [hbm4b:s6+s2], $0x80, v3, vm0, $0xb8;
	[tilespmem:$0x10080] =	vst v63  }
0xb9: {  	s23 =	simm.s32 $0xB880  }
0xba: {  	[tilespmem:s23], [sflag:$0x3] =	stream.indirect_vreg.gather [hbm4b:s7+s2], $0x80, v3, vm0, $0xb8;
	[tilespmem:$0x10080] =	vst v63  }
0xbb: {  	v3 =	vld [tilespmem:$0x70];
	_ =	sdelay $0x4  }
0xbc: {  	v63 =	vshll.u32 v3, $0x3  }
0xbd: {  	v3 =	vand.u32 $0x7, v3;
	v4 =	vand.u32 $0xFFFFFFC0, v63  }
0xbe: {  	v3 =	vor.u32 v3, v4  }
0xbf: {  	v4 =	vperm.xlane v3, v0;
	_ =	sdelay $0x1  }
0xc0: {  	v4 =	vadd.s32 v1, v4;
	_ =	sdelay $0x3  }
0xc1: {  	s10 =	simm.s32 $0xC080  }
0xc2: {  	[tilespmem:s10], [sflag:$0x3] =	stream.indirect_vreg.gather [hbm4b:s3+s2], $0x80, v4, vm0, $0xb8;
	[tilespmem:$0x10080] =	vst v63  }
0xc3: {  	s23 =	simm.s32 $0xC880;
	v3 =	vperm.xlane v3, v2  }
0xc4: {  	[tilespmem:s23], [sflag:$0x3] =	stream.indirect_vreg.gather [hbm4b:s5+s2], $0x80, v4, vm0, $0xb8;
	[tilespmem:$0x10080] =	vst v63  }
0xc5: {  	v3 =	vadd.s32 v1, v3;
	s10 =	simm.s32 $0xD080  }
0xc6: {  	[tilespmem:s10], [sflag:$0x3] =	stream.indirect_vreg.gather [hbm4b:s6+s2], $0x80, v4, vm0, $0xb8;
	[tilespmem:$0x10080] =	vst v63  }
0xc7: {  	s23 =	simm.s32 $0xD880  }
0xc8: {  	[tilespmem:s23], [sflag:$0x3] =	stream.indirect_vreg.gather [hbm4b:s7+s2], $0x80, v4, vm0, $0xb8;
	[tilespmem:$0x10080] =	vst v63  }
0xc9: {  	s10 =	simm.s32 $0xE080  }
0xca: {  	[tilespmem:s10], [sflag:$0x3] =	stream.indirect_vreg.gather [hbm4b:s3+s2], $0x80, v3, vm0, $0xb8;
	[tilespmem:$0x10080] =	vst v63  }
0xcb: {  	s23 =	simm.s32 $0xE880  }
0xcc: {  	[tilespmem:s23], [sflag:$0x3] =	stream.indirect_vreg.gather [hbm4b:s5+s2], $0x80, v3, vm0, $0xb8;
	[tilespmem:$0x10080] =	vst v63  }
0xcd: {  	s10 =	simm.s32 $0xF080  }
0xce: {  	[tilespmem:s10], [sflag:$0x3] =	stream.indirect_vreg.gather [hbm4b:s6+s2], $0x80, v3, vm0, $0xb8;
	[tilespmem:$0x10080] =	vst v63  }
0xcf: {  	s23 =	simm.s32 $0xF880  }
0xd0: {  	[tilespmem:s23], [sflag:$0x3] =	stream.indirect_vreg.gather [hbm4b:s7+s2], $0x80, v3, vm0, $0xb8;
	[tilespmem:$0x10080] =	vst v63  }
0xd1: {  	_ =	swait.ge [sflag:s9], $0x8000  }
0xd2: {  	[sflag:s9] =	ssyncset.done $0x0  }
0xd3: {  	s0 =	rddreg [dreg:$0x5];
	[sflag:s9] =	ssyncadd.s32 $0xFFFF8000  }
0xd4: {  	[hbm4b:s0+s2] =	stream.linear.scatter [tilespmem:s26], [sflag:$0x4], $0x8000, $0x38;
	[tilespmem:$0x10080] =	vst v63  }
0xd5: {  	_ =	swait.ge [sflag:s21], $0x8000  }
0xd6: {  	[sflag:s21] =	ssyncset.done $0x0  }
0xd7: {  	[sflag:s21] =	ssyncadd.s32 $0xFFFF8000  }
0xd8: {  	_ =	swait.ge [sflag:s4], $0x8000  }
0xd9: {  	p0 =	sne.s32 s8, $0x1;
	[sflag:s4] =	ssyncset.done $0x0  }
.Ltmp0:
0xda: {  	s10 =	rddreg [dreg:$0x6];
	[sflag:s4] =	ssyncadd.s32 $0xFFFF8000;
	(pc) =	sbr.rel @p0 .LBB2_1-.Ltmp0, $4  }
0xdb: {  	[hbm4b:s10+s2] =	stream.linear.scatter [tilespmem:s20], [sflag:$0x5], $0x8000, $0x38;
	[tilespmem:$0x10080] =	vst v63  }
0xdc: {  	_ =	swait.ge [sflag:s22], $0x8000  }
0xdd: {  	[sflag:s22] =	ssyncset.done $0x0  }
0xde: {  	s8 =	sadd.s32 $0xFFFFFFFF, s8;
	[sflag:s22] =	ssyncadd.s32 $0xFFFF8000  }
0xdf: {  	_ =	sfence.sel $0x180000  }
0xe0: {  	[bflag:$0x0] =	sbarrier.arrive $0xFFFF  }
0xe1: {  	_ =	strace $0x9000004A  }
0xe2: {  	s0 =	stileid.u32;
	[bflag:$0x2] =	sbarrier.arrive $0xFFFF  }
0xe3: {  	p0 =	sne.s32 s0, $0x0;
	s0 =	rddreg [dreg:$0x2]  }
0xe4: {  	s0 =	sadd.s32 @!p0 $0x100000, s0  }
0xe5: {  	[sflag:s0] =	ssyncadd.tile.s32 @!p0 $0x1;
	_ =	shalt  }
.Lfunc_end2:
_tile_overlayer_lowered:
.L_overlay_start_2:
0xe6: {  	(tag) =	ssettag $0x2  }
0xe7: {  	s0 =	rddreg [dreg:$0x0];
	s2 =	stileid.u32  }
0xe8: {  	s1 =	rddreg [dreg:$0x1];
	p0 =	sne.s32 s2, $0x0  }
0xe9: {  	s3 =	rddreg [dreg:$0x2];
	[bflag:$0x3] =	sbarrier.arrive $0xFFFF;
	s2 =	simm.s32 @!p0 $0x1C06  }
0xea: {  	[timem:s3], [sflag:s2] =	dma.local @!p0 [hbm:s0], s1  }
0xeb: {  	s0 =	simm.s32 @!p0 $0x6  }
0xec: {  	_ =	swait.ge @!p0 [sflag:s0], s1  }
0xed: {  	s1 =	ssub.s32 @!p0 $0x0, s1;
	[sflag:s0] =	ssyncset.done @!p0 $0x0  }
0xee: {  	[sflag:s0] =	ssyncadd.s32 @!p0 s1  }
0xef: {  	[bflag:$0x3] =	sbarrier.arrive $0xFFFF  }
0xf0: {  	_ =	shalt  }

</sc_bundles>
